<compile_context>
chip_gen: v7x
topology: tpu7x:2x2x1
jax: 0.10.2.dev20260603
libtpu: 0.0.44.dev20260713+nightly
codegen_flags: <defaults>
</compile_context>

<pallas_src>
import functools

import jax
import jax.numpy as jnp
from jax import lax
from jax.experimental import pallas as pl
from jax.experimental.pallas import tpu as pltpu
from jax.experimental.pallas import tpu_sc as plsc

N = 10000
E = 320000
D_IN = 128
HID = 64
OUT = 112

NC = 2
NS = 16
NW = NC * NS
EPT = E // NW
CH = 80
NCH = EPT // CH
RA = 624
RTAIL = N - NS * RA
W1 = 128
W2 = 128


def _make_agg(W):
  mesh = plsc.VectorSubcoreMesh(core_axis_name="c", subcore_axis_name="s")

  @functools.partial(
      pl.kernel,
      out_type=jax.ShapeDtypeStruct((NC, N, W), jnp.float32),
      mesh=mesh,
      scratch_types=[
          pltpu.VMEM((EPT,), jnp.int32),
          pltpu.VMEM((NCH, CH), jnp.int32),
          pltpu.VMEM((CH, W), jnp.float32),
          pltpu.VMEM((CH, W), jnp.float32),
          pltpu.VMEM_SHARED((N, W), jnp.float32),
          pltpu.SemaphoreType.DMA,
          pltpu.SemaphoreType.DMA,
      ],
  )
  def agg(y_hbm, src_hbm, dst_hbm, out_hbm, src_v, dst_v, rows_a, rows_b,
          acc_sh, sem_a, sem_b):
    c = lax.axis_index("c")
    s = lax.axis_index("s")
    wid = s * NC + c

    pltpu.async_copy(src_hbm.at[pl.ds(wid * EPT, EPT)], src_v, sem_a)
    pltpu.async_copy(dst_hbm.at[wid], dst_v, sem_b)

    @pl.loop(0, CH)
    def _(i):
      @pl.loop(0, W // 16)
      def _(k):
        rows_b[i, pl.ds(k * 16, 16)] = jnp.zeros((16,), jnp.float32)

    pltpu.make_async_copy(src_hbm.at[pl.ds(0, EPT)], src_v, sem_a).wait()
    pltpu.make_async_copy(dst_hbm.at[0], dst_v, sem_b).wait()

    def _start(j, buf, dsem):
      pltpu.async_copy(y_hbm.at[src_v.at[pl.ds(j * CH, CH)]], buf, dsem)

    def _drain(buf, dsem):
      pltpu.make_async_copy(y_hbm.at[src_v.at[pl.ds(0, CH)]], buf, dsem).wait()

    _start(0, rows_a, sem_a)

    @pl.loop(0, RA // CH)
    def _(i):
      pltpu.sync_copy(rows_b, acc_sh.at[pl.ds(s * RA + i * CH, CH)])

    pltpu.sync_copy(rows_b.at[pl.ds(0, RA - (RA // CH) * CH)],
                    acc_sh.at[pl.ds(s * RA + (RA // CH) * CH,
                                    RA - (RA // CH) * CH)])

    @pl.when(s == NS - 1)
    def _():
      pltpu.sync_copy(rows_b.at[pl.ds(0, RTAIL)],
                      acc_sh.at[pl.ds(NS * RA, RTAIL)])

    plsc.subcore_barrier()

    @pl.loop(0, (NCH - 1) // 2)
    def _(k):
      j = 2 * k
      _start(j + 1, rows_b, sem_b)
      _drain(rows_a, sem_a)
      pltpu.sync_copy(rows_a, acc_sh.at[dst_v.at[j]], add=True)
      _start(j + 2, rows_a, sem_a)
      _drain(rows_b, sem_b)
      pltpu.sync_copy(rows_b, acc_sh.at[dst_v.at[j + 1]], add=True)

    _drain(rows_a, sem_a)
    pltpu.sync_copy(rows_a, acc_sh.at[dst_v.at[NCH - 1]], add=True)

    plsc.subcore_barrier()

    pltpu.sync_copy(acc_sh.at[pl.ds(s * RA, RA)],
                    out_hbm.at[c, pl.ds(s * RA, RA)])

    @pl.when(s == NS - 1)
    def _():
      pltpu.sync_copy(acc_sh.at[pl.ds(NS * RA, RTAIL)],
                      out_hbm.at[c, pl.ds(NS * RA, RTAIL)])

  return agg


_agg1 = _make_agg(W1)
_agg2 = _make_agg(W2)


def _lin1_body(x_ref, wl_ref, wr_ref, y_ref, xr_ref):
  x = x_ref[...]
  y = lax.dot_general(x, wl_ref[...], (((1,), (1,)), ((), ())),
                      preferred_element_type=jnp.float32)
  ones = jnp.ones((x.shape[0], 1), jnp.float32)
  zeros = jnp.zeros((x.shape[0], W1 - HID - 1), jnp.float32)
  y_ref[...] = jnp.concatenate([y, ones, zeros], axis=1)
  xr_ref[...] = lax.dot_general(x, wr_ref[...], (((1,), (1,)), ((), ())),
                                preferred_element_type=jnp.float32)


def _mid_body(p_ref, xr_ref, bl1_ref, wl2_ref, wr2_ref, y2_ref, hr2_ref,
              deg_ref):
  p = p_ref[0] + p_ref[1]
  deg = jnp.maximum(p[:, HID:HID + 1], 1.0)
  h = jnp.maximum(p[:, :HID] / deg + bl1_ref[...] + xr_ref[...], 0.0)
  y2 = lax.dot_general(h, wl2_ref[...], (((1,), (1,)), ((), ())),
                       preferred_element_type=jnp.float32)
  y2_ref[...] = jnp.concatenate(
      [y2, jnp.zeros((y2.shape[0], W2 - HID), jnp.float32)], axis=1)
  hr2_ref[...] = lax.dot_general(h, wr2_ref[...], (((1,), (1,)), ((), ())),
                                 preferred_element_type=jnp.float32)
  deg_ref[...] = deg


def _out_body(p_ref, hr2_ref, bl2_ref, deg_ref, wout_ref, bout_ref, o_ref):
  agg = p_ref[0][:, :HID] + p_ref[1][:, :HID]
  h = jnp.maximum(agg / deg_ref[...] + bl2_ref[...] + hr2_ref[...], 0.0)
  o_ref[...] = lax.dot_general(h, wout_ref[...], (((1,), (1,)), ((), ())),
                               preferred_element_type=jnp.float32) + bout_ref[...]


def kernel(x, edge_index, Wl1, bl1, Wr1, Wl2, bl2, Wr2, Wout, bout):
  src = edge_index[0]
  dst = edge_index[1].reshape(NW, NCH, CH)

  y1p, xr1 = pl.pallas_call(
      _lin1_body,
      out_shape=(jax.ShapeDtypeStruct((N, W1), jnp.float32),
                 jax.ShapeDtypeStruct((N, HID), jnp.float32)),
  )(x, Wl1, Wr1)

  p1 = _agg1(y1p, src, dst)

  y2, hr2, deg = pl.pallas_call(
      _mid_body,
      out_shape=(jax.ShapeDtypeStruct((N, W2), jnp.float32),
                 jax.ShapeDtypeStruct((N, HID), jnp.float32),
                 jax.ShapeDtypeStruct((N, 1), jnp.float32)),
  )(p1, xr1, bl1.reshape(1, HID), Wl2, Wr2)

  p2 = _agg2(y2, src, dst)

  out = pl.pallas_call(
      _out_body,
      out_shape=jax.ShapeDtypeStruct((N, OUT), jnp.float32),
  )(p2, hr2, bl2.reshape(1, HID), deg, Wout, bout.reshape(1, OUT))

  return out

# --- scband reference (transcript-rebuilt; emitter-appended) ---
"""Pipeline reference for scband-graph-sage-56255481643658 (READ-ONLY COPY).

The authoritative reference and input builder live on the scoring server;
editing this copy changes nothing except your own understanding.
"""

import jax, jax.numpy as jnp
import numpy as np

N = 10000
E = 320000
D_IN = 128
HID = 64
OUT = 112

def setup_inputs(seed: int = 0) -> dict:
    key = jax.random.key(seed)
    ks = jax.random.split(key, 12)
    x = jax.random.normal(ks[0], (N, D_IN), dtype=jnp.float32)
    edge_index = jax.random.randint(ks[1], (2, E), 0, N, dtype=jnp.int32)
    # SAGEConv layer 1 (in=128 -> hid=64): lin_l (neighbors, with bias), lin_r (root, no bias)
    Wl1 = jax.random.normal(ks[2], (HID, D_IN), dtype=jnp.float32) / np.sqrt(D_IN)
    bl1 = jnp.zeros((HID,), dtype=jnp.float32)
    Wr1 = jax.random.normal(ks[3], (HID, D_IN), dtype=jnp.float32) / np.sqrt(D_IN)
    # SAGEConv layer 2 (hid -> hid)
    Wl2 = jax.random.normal(ks[4], (HID, HID), dtype=jnp.float32) / np.sqrt(HID)
    bl2 = jnp.zeros((HID,), dtype=jnp.float32)
    Wr2 = jax.random.normal(ks[5], (HID, HID), dtype=jnp.float32) / np.sqrt(HID)
    # output linear (hid -> 112)
    Wout = jax.random.normal(ks[6], (OUT, HID), dtype=jnp.float32) / np.sqrt(HID)
    bout = jnp.zeros((OUT,), dtype=jnp.float32)
    return {"x": x, "edge_index": edge_index, "Wl1": Wl1, "bl1": bl1, "Wr1": Wr1,
            "Wl2": Wl2, "bl2": bl2, "Wr2": Wr2, "Wout": Wout, "bout": bout}

def _sage_conv(x, src, dst, Wl, bl, Wr):
    # mean aggregation of source-node features at destination nodes
    msg = jnp.take(x, src, axis=0)
    agg = jax.ops.segment_sum(msg, dst, num_segments=N)
    deg = jax.ops.segment_sum(jnp.ones((src.shape[0],), dtype=x.dtype), dst, num_segments=N)
    mean = agg / jnp.maximum(deg, 1.0)[:, None]
    return mean @ Wl.T + bl + x @ Wr.T

def reference(x, edge_index, Wl1, bl1, Wr1, Wl2, bl2, Wr2, Wout, bout):
    src = edge_index[0]
    dst = edge_index[1]
    h = _sage_conv(x, src, dst, Wl1, bl1, Wr1)
    h = jax.nn.relu(h)  # dropout is identity in eval mode
    h = _sage_conv(h, src, dst, Wl2, bl2, Wr2)
    h = jax.nn.relu(h)
    return h @ Wout.T + bout

if __name__ == "__main__":
    import jax
    _d = setup_inputs()
    print(jax.jit(kernel)(*tuple(_d.values())))

</pallas_src>

<mosaic_0001>
#map = affine_map<(d0, d1) -> (0, 0)>
#map1 = affine_map<(d0, d1) -> (0)>
#map2 = affine_map<(d0, d1) -> (0, 0, 0)>
module attributes {stable_mosaic.version = 14 : i64} {
  func.func @agg(%arg0: i32, %arg1: i32, %arg2: memref<10000x128xf32, #tpu.memory_space<hbm>>, %arg3: memref<320000xi32, #tpu.memory_space<hbm>>, %arg4: memref<32x125x80xi32, #tpu.memory_space<hbm>>, %arg5: memref<2x10000x128xf32, #tpu.memory_space<hbm>>, %arg6: memref<10000xi32, #tpu.memory_space<vmem>>, %arg7: memref<125x80xi32, #tpu.memory_space<vmem>>, %arg8: memref<80x128xf32, #tpu.memory_space<vmem>>, %arg9: memref<80x128xf32, #tpu.memory_space<vmem>>, %arg10: memref<10000x128xf32, #tpu.memory_space<vmem_shared>>, %arg11: memref<!tpu.dma_semaphore, #tpu.memory_space<semaphore_mem>>, %arg12: memref<!tpu.dma_semaphore, #tpu.memory_space<semaphore_mem>>) attributes {dimension_semantics = [#tpu.dimension_semantics<core_parallel>, #tpu.dimension_semantics<subcore_parallel>], iteration_bounds = array<i64: 2, 16>, scalar_prefetch = 0 : i64, scratch_operands = 7 : i64, tpu.core_type = #tpu.core_type<sc_vector_subcore>, window_params = [{transform_indices = #map}, {transform_indices = #map1}, {transform_indices = #map2}, {transform_indices = #map2}]} {
    %mul3A = arith.constant 2 : i32
    %mul3A_0 = arith.muli %arg1, %mul3A : i32
    %add3A = arith.addi %mul3A_0, %arg0 : i32
    %mul3A_1 = arith.constant 10000 : i32
    %mul3A_2 = arith.muli %add3A, %mul3A_1 : i32
    %dma_start3A = tpu.memref_slice %arg3[%mul3A_2] : memref<320000xi32, #tpu.memory_space<hbm>> -> memref<10000xi32, #tpu.memory_space<hbm>>
    %dma_start3A_3 = tpu.memref_slice %arg3[%mul3A_2] : memref<320000xi32, #tpu.memory_space<hbm>> -> memref<10000xi32, #tpu.memory_space<hbm>>
    tpu.enqueue_dma source(%dma_start3A_3 : memref<10000xi32, #tpu.memory_space<hbm>>) target(%arg6 : memref<10000xi32, #tpu.memory_space<vmem>>) target_semaphore(%arg11 : memref<!tpu.dma_semaphore, #tpu.memory_space<semaphore_mem>>)
    %dma_start3A_4 = arith.constant 0 : i32
    %dma_start3A_5 = arith.constant 0 : i32
    %dma_start3A_6 = tpu.memref_slice %arg4[%add3A, %dma_start3A_4, %dma_start3A_5] : memref<32x125x80xi32, #tpu.memory_space<hbm>> -> memref<1x125x80xi32, #tpu.memory_space<hbm>>
    %dma_start3A_7 = tpu.memref_squeeze %dma_start3A_6 : memref<1x125x80xi32, #tpu.memory_space<hbm>> -> memref<125x80xi32, #tpu.memory_space<hbm>>
    %dma_start3A_8 = arith.constant 0 : i32
    %dma_start3A_9 = arith.constant 0 : i32
    %dma_start3A_10 = tpu.memref_slice %arg4[%add3A, %dma_start3A_8, %dma_start3A_9] : memref<32x125x80xi32, #tpu.memory_space<hbm>> -> memref<1x125x80xi32, #tpu.memory_space<hbm>>
    %dma_start3A_11 = tpu.memref_squeeze %dma_start3A_10 : memref<1x125x80xi32, #tpu.memory_space<hbm>> -> memref<125x80xi32, #tpu.memory_space<hbm>>
    tpu.enqueue_dma source(%dma_start3A_11 : memref<125x80xi32, #tpu.memory_space<hbm>>) target(%arg7 : memref<125x80xi32, #tpu.memory_space<vmem>>) target_semaphore(%arg12 : memref<!tpu.dma_semaphore, #tpu.memory_space<semaphore_mem>>)
    %scan3A = arith.constant 0 : i32
    %scan3A_12 = arith.constant 80 : i32
    %scan3A_13 = arith.addi %scan3A, %scan3A_12 : i32
    %scan3A_14 = arith.constant 1 : i32
    scf.for %scan3A_64 = %scan3A to %scan3A_13 step %scan3A_14  : i32 {
      %mul3A_65 = arith.constant 1 : i32
      %mul3A_66 = arith.muli %scan3A_64, %mul3A_65 : i32
      %add3A_67 = arith.constant 0 : i32
      %add3A_68 = arith.addi %add3A_67, %mul3A_66 : i32
      %scan3A_69 = arith.constant 0 : i32
      %scan3A_70 = arith.constant 8 : i32
      %scan3A_71 = arith.addi %scan3A_69, %scan3A_70 : i32
      %scan3A_72 = arith.constant 1 : i32
      scf.for %scan3A_74 = %scan3A_69 to %scan3A_71 step %scan3A_72  : i32 {
        %mul3A_75 = arith.constant 1 : i32
        %mul3A_76 = arith.muli %scan3A_74, %mul3A_75 : i32
        %add3A_77 = arith.constant 0 : i32
        %add3A_78 = arith.addi %add3A_77, %mul3A_76 : i32
        %broadcast_in_dim3A = arith.constant 0.000000e+00 : f32
        %broadcast_in_dim3A_79 = vector.broadcast %broadcast_in_dim3A : f32 to vector<16xf32>
        %mul3A_80 = arith.constant 16 : i32
        %mul3A_81 = arith.muli %add3A_78, %mul3A_80 : i32
        %swap3A = arith.index_cast %add3A_68 : i32 to index
        %swap3A_82 = arith.index_cast %mul3A_81 : i32 to index
        %swap3A_83 = tpu.vector_load %arg9[%swap3A, %swap3A_82] {strides = array<i32>} : memref<80x128xf32, #tpu.memory_space<vmem>>, vector<1x16xf32>,
        %swap3A_84 = vector.shape_cast %swap3A_83 : vector<1x16xf32> to vector<16xf32>
        %swap3A_85 = vector.shape_cast %broadcast_in_dim3A_79 : vector<16xf32> to vector<1x16xf32>
        tpu.vector_store %arg9[%swap3A, %swap3A_82], %swap3A_85 {strides = array<i32>} : memref<80x128xf32, #tpu.memory_space<vmem>>, vector<1x16xf32>,
      }
      %scan3A_73 = arith.constant 8 : i32
    }
    %scan3A_15 = arith.constant 80 : i32
    %dma_wait3A = arith.constant 0 : i32
    %dma_wait3A_16 = tpu.memref_slice %arg3[%dma_wait3A] : memref<320000xi32, #tpu.memory_space<hbm>> -> memref<10000xi32, #tpu.memory_space<hbm>>
    %dma_wait3A_17 = arith.constant 0 : i32
    %dma_wait3A_18 = tpu.memref_slice %arg3[%dma_wait3A_17] : memref<320000xi32, #tpu.memory_space<hbm>> -> memref<10000xi32, #tpu.memory_space<hbm>>
    tpu.wait_dma2 semaphore(%arg11 : memref<!tpu.dma_semaphore, #tpu.memory_space<semaphore_mem>>) src(%dma_wait3A_18 : memref<10000xi32, #tpu.memory_space<hbm>>) dst(%arg6 : memref<10000xi32, #tpu.memory_space<vmem>>)
    %dma_wait3A_19 = arith.constant 0 : i32
    %dma_wait3A_20 = arith.constant 0 : i32
    %dma_wait3A_21 = arith.constant 0 : i32
    %dma_wait3A_22 = tpu.memref_slice %arg4[%dma_wait3A_19, %dma_wait3A_20, %dma_wait3A_21] : memref<32x125x80xi32, #tpu.memory_space<hbm>> -> memref<1x125x80xi32, #tpu.memory_space<hbm>>
    %dma_wait3A_23 = tpu.memref_squeeze %dma_wait3A_22 : memref<1x125x80xi32, #tpu.memory_space<hbm>> -> memref<125x80xi32, #tpu.memory_space<hbm>>
    %dma_wait3A_24 = arith.constant 0 : i32
    %dma_wait3A_25 = arith.constant 0 : i32
    %dma_wait3A_26 = tpu.memref_slice %arg4[%dma_wait3A_19, %dma_wait3A_24, %dma_wait3A_25] : memref<32x125x80xi32, #tpu.memory_space<hbm>> -> memref<1x125x80xi32, #tpu.memory_space<hbm>>
    %dma_wait3A_27 = tpu.memref_squeeze %dma_wait3A_26 : memref<1x125x80xi32, #tpu.memory_space<hbm>> -> memref<125x80xi32, #tpu.memory_space<hbm>>
    tpu.wait_dma2 semaphore(%arg12 : memref<!tpu.dma_semaphore, #tpu.memory_space<semaphore_mem>>) src(%dma_wait3A_27 : memref<125x80xi32, #tpu.memory_space<hbm>>) dst(%arg7 : memref<125x80xi32, #tpu.memory_space<vmem>>)
    %dma_start3A_28 = arith.constant 0 : i32
    %dma_start3A_29 = tpu.memref_slice %arg6[%dma_start3A_28] : memref<10000xi32, #tpu.memory_space<vmem>> -> memref<80xi32, #tpu.memory_space<vmem>>
    %dma_start3A_30 = arith.constant 0 : i32
    %dma_start3A_31 = arith.constant 0 : i32
    %dma_start3A_32 = tpu.memref_slice %arg2[%dma_start3A_30, %dma_start3A_31] : memref<10000x128xf32, #tpu.memory_space<hbm>> -> memref<10000x128xf32, #tpu.memory_space<hbm>>
    tpu.enqueue_indirect_dma source(%dma_start3A_32 : memref<10000x128xf32, #tpu.memory_space<hbm>>) target(%arg8 : memref<80x128xf32, #tpu.memory_space<vmem>>) offsets(%dma_start3A_29 : memref<80xi32, #tpu.memory_space<vmem>>) semaphore(%arg11 : memref<!tpu.dma_semaphore, #tpu.memory_space<semaphore_mem>>)
    %scan3A_33 = arith.constant 0 : i32
    %scan3A_34 = arith.constant 7 : i32
    %scan3A_35 = arith.addi %scan3A_33, %scan3A_34 : i32
    %scan3A_36 = arith.constant 1 : i32
    scf.for %scan3A_64 = %scan3A_33 to %scan3A_35 step %scan3A_36  : i32 {
      %mul3A_65 = arith.constant 1 : i32
      %mul3A_66 = arith.muli %scan3A_64, %mul3A_65 : i32
      %add3A_67 = arith.constant 0 : i32
      %add3A_68 = arith.addi %add3A_67, %mul3A_66 : i32
      %mul3A_69 = arith.constant 624 : i32
      %mul3A_70 = arith.muli %arg1, %mul3A_69 : i32
      %mul3A_71 = arith.constant 80 : i32
      %mul3A_72 = arith.muli %add3A_68, %mul3A_71 : i32
      %add3A_73 = arith.addi %mul3A_70, %mul3A_72 : i32
      "tpu.region"() ({
        %run_scoped3A_74 = tpu.sem_alloc : memref<!tpu.dma_semaphore, #tpu.memory_space<semaphore_mem>>
        %dma_start3A_75 = arith.constant 0 : i32
        %dma_start3A_76 = tpu.memref_slice %arg10[%add3A_73, %dma_start3A_75] : memref<10000x128xf32, #tpu.memory_space<vmem_shared>> -> memref<80x128xf32, #tpu.memory_space<vmem_shared>>
        %dma_start3A_77 = arith.constant 0 : i32
        %dma_start3A_78 = tpu.memref_slice %arg10[%add3A_73, %dma_start3A_77] : memref<10000x128xf32, #tpu.memory_space<vmem_shared>> -> memref<80x128xf32, #tpu.memory_space<vmem_shared>>
        tpu.enqueue_dma source(%arg9 : memref<80x128xf32, #tpu.memory_space<vmem>>) target(%dma_start3A_78 : memref<80x128xf32, #tpu.memory_space<vmem_shared>>) target_semaphore(%run_scoped3A_74 : memref<!tpu.dma_semaphore, #tpu.memory_space<semaphore_mem>>)
        %dma_wait3A_79 = arith.constant 0 : i32
        %dma_wait3A_80 = tpu.memref_slice %arg10[%add3A_73, %dma_wait3A_79] : memref<10000x128xf32, #tpu.memory_space<vmem_shared>> -> memref<80x128xf32, #tpu.memory_space<vmem_shared>>
        %dma_wait3A_81 = arith.constant 0 : i32
        %dma_wait3A_82 = tpu.memref_slice %arg10[%add3A_73, %dma_wait3A_81] : memref<10000x128xf32, #tpu.memory_space<vmem_shared>> -> memref<80x128xf32, #tpu.memory_space<vmem_shared>>
        tpu.wait_dma2 semaphore(%run_scoped3A_74 : memref<!tpu.dma_semaphore, #tpu.memory_space<semaphore_mem>>) src(%arg9 : memref<80x128xf32, #tpu.memory_space<vmem>>) dst(%dma_wait3A_82 : memref<80x128xf32, #tpu.memory_space<vmem_shared>>)
        tpu.yield
      }) : () -> ()
    }
    %scan3A_37 = arith.constant 7 : i32
    %mul3A_38 = arith.constant 624 : i32
    %mul3A_39 = arith.muli %arg1, %mul3A_38 : i32
    %add3A_40 = arith.constant 560 : i32
    %add3A_41 = arith.addi %mul3A_39, %add3A_40 : i32
    "tpu.region"() ({
      %run_scoped3A_64 = tpu.sem_alloc : memref<!tpu.dma_semaphore, #tpu.memory_space<semaphore_mem>>
      %dma_start3A_65 = arith.constant 0 : i32
      %dma_start3A_66 = arith.constant 0 : i32
      %dma_start3A_67 = tpu.memref_slice %arg9[%dma_start3A_65, %dma_start3A_66] : memref<80x128xf32, #tpu.memory_space<vmem>> -> memref<64x128xf32, #tpu.memory_space<vmem>>
      %dma_start3A_68 = arith.constant 0 : i32
      %dma_start3A_69 = tpu.memref_slice %arg10[%add3A_41, %dma_start3A_68] : memref<10000x128xf32, #tpu.memory_space<vmem_shared>> -> memref<64x128xf32, #tpu.memory_space<vmem_shared>>
      %dma_start3A_70 = arith.constant 0 : i32
      %dma_start3A_71 = tpu.memref_slice %arg10[%add3A_41, %dma_start3A_70] : memref<10000x128xf32, #tpu.memory_space<vmem_shared>> -> memref<64x128xf32, #tpu.memory_space<vmem_shared>>
      %dma_start3A_72 = arith.constant 0 : i32
      %dma_start3A_73 = arith.constant 0 : i32
      %dma_start3A_74 = tpu.memref_slice %arg9[%dma_start3A_72, %dma_start3A_73] : memref<80x128xf32, #tpu.memory_space<vmem>> -> memref<64x128xf32, #tpu.memory_space<vmem>>
      tpu.enqueue_dma source(%dma_start3A_74 : memref<64x128xf32, #tpu.memory_space<vmem>>) target(%dma_start3A_71 : memref<64x128xf32, #tpu.memory_space<vmem_shared>>) target_semaphore(%run_scoped3A_64 : memref<!tpu.dma_semaphore, #tpu.memory_space<semaphore_mem>>)
      %dma_wait3A_75 = arith.constant 0 : i32
      %dma_wait3A_76 = arith.constant 0 : i32
      %dma_wait3A_77 = tpu.memref_slice %arg9[%dma_wait3A_75, %dma_wait3A_76] : memref<80x128xf32, #tpu.memory_space<vmem>> -> memref<64x128xf32, #tpu.memory_space<vmem>>
      %dma_wait3A_78 = arith.constant 0 : i32
      %dma_wait3A_79 = tpu.memref_slice %arg10[%add3A_41, %dma_wait3A_78] : memref<10000x128xf32, #tpu.memory_space<vmem_shared>> -> memref<64x128xf32, #tpu.memory_space<vmem_shared>>
      %dma_wait3A_80 = arith.constant 0 : i32
      %dma_wait3A_81 = tpu.memref_slice %arg10[%add3A_41, %dma_wait3A_80] : memref<10000x128xf32, #tpu.memory_space<vmem_shared>> -> memref<64x128xf32, #tpu.memory_space<vmem_shared>>
      %dma_wait3A_82 = arith.constant 0 : i32
      %dma_wait3A_83 = arith.constant 0 : i32
      %dma_wait3A_84 = tpu.memref_slice %arg9[%dma_wait3A_82, %dma_wait3A_83] : memref<80x128xf32, #tpu.memory_space<vmem>> -> memref<64x128xf32, #tpu.memory_space<vmem>>
      tpu.wait_dma2 semaphore(%run_scoped3A_64 : memref<!tpu.dma_semaphore, #tpu.memory_space<semaphore_mem>>) src(%dma_wait3A_84 : memref<64x128xf32, #tpu.memory_space<vmem>>) dst(%dma_wait3A_81 : memref<64x128xf32, #tpu.memory_space<vmem_shared>>)
      tpu.yield
    }) : () -> ()
    %eq3A = arith.constant 15 : i32
    %eq3A_42 = arith.cmpi eq, %arg1, %eq3A : i32
    %convert_element_type3A = arith.extui %eq3A_42 : i1 to i32
    %cond3A = arith.constant 0 : i32
    %cond3A_43 = arith.cmpi ne, %convert_element_type3A, %cond3A : i32
    scf.if %cond3A_43 {
      "tpu.region"() ({
        %run_scoped3A_64 = tpu.sem_alloc : memref<!tpu.dma_semaphore, #tpu.memory_space<semaphore_mem>>
        %dma_start3A_65 = arith.constant 0 : i32
        %dma_start3A_66 = arith.constant 0 : i32
        %dma_start3A_67 = tpu.memref_slice %arg9[%dma_start3A_65, %dma_start3A_66] : memref<80x128xf32, #tpu.memory_space<vmem>> -> memref<16x128xf32, #tpu.memory_space<vmem>>
        %dma_start3A_68 = arith.constant 9984 : i32
        %dma_start3A_69 = arith.constant 0 : i32
        %dma_start3A_70 = tpu.memref_slice %arg10[%dma_start3A_68, %dma_start3A_69] : memref<10000x128xf32, #tpu.memory_space<vmem_shared>> -> memref<16x128xf32, #tpu.memory_space<vmem_shared>>
        %dma_start3A_71 = arith.constant 9984 : i32
        %dma_start3A_72 = arith.constant 0 : i32
        %dma_start3A_73 = tpu.memref_slice %arg10[%dma_start3A_71, %dma_start3A_72] : memref<10000x128xf32, #tpu.memory_space<vmem_shared>> -> memref<16x128xf32, #tpu.memory_space<vmem_shared>>
        %dma_start3A_74 = arith.constant 0 : i32
        %dma_start3A_75 = arith.constant 0 : i32
        %dma_start3A_76 = tpu.memref_slice %arg9[%dma_start3A_74, %dma_start3A_75] : memref<80x128xf32, #tpu.memory_space<vmem>> -> memref<16x128xf32, #tpu.memory_space<vmem>>
        tpu.enqueue_dma source(%dma_start3A_76 : memref<16x128xf32, #tpu.memory_space<vmem>>) target(%dma_start3A_73 : memref<16x128xf32, #tpu.memory_space<vmem_shared>>) target_semaphore(%run_scoped3A_64 : memref<!tpu.dma_semaphore, #tpu.memory_space<semaphore_mem>>)
        %dma_wait3A_77 = arith.constant 0 : i32
        %dma_wait3A_78 = arith.constant 0 : i32
        %dma_wait3A_79 = tpu.memref_slice %arg9[%dma_wait3A_77, %dma_wait3A_78] : memref<80x128xf32, #tpu.memory_space<vmem>> -> memref<16x128xf32, #tpu.memory_space<vmem>>
        %dma_wait3A_80 = arith.constant 9984 : i32
        %dma_wait3A_81 = arith.constant 0 : i32
        %dma_wait3A_82 = tpu.memref_slice %arg10[%dma_wait3A_80, %dma_wait3A_81] : memref<10000x128xf32, #tpu.memory_space<vmem_shared>> -> memref<16x128xf32, #tpu.memory_space<vmem_shared>>
        %dma_wait3A_83 = arith.constant 9984 : i32
        %dma_wait3A_84 = arith.constant 0 : i32
        %dma_wait3A_85 = tpu.memref_slice %arg10[%dma_wait3A_83, %dma_wait3A_84] : memref<10000x128xf32, #tpu.memory_space<vmem_shared>> -> memref<16x128xf32, #tpu.memory_space<vmem_shared>>
        %dma_wait3A_86 = arith.constant 0 : i32
        %dma_wait3A_87 = arith.constant 0 : i32
        %dma_wait3A_88 = tpu.memref_slice %arg9[%dma_wait3A_86, %dma_wait3A_87] : memref<80x128xf32, #tpu.memory_space<vmem>> -> memref<16x128xf32, #tpu.memory_space<vmem>>
        tpu.wait_dma2 semaphore(%run_scoped3A_64 : memref<!tpu.dma_semaphore, #tpu.memory_space<semaphore_mem>>) src(%dma_wait3A_88 : memref<16x128xf32, #tpu.memory_space<vmem>>) dst(%dma_wait3A_85 : memref<16x128xf32, #tpu.memory_space<vmem_shared>>)
        tpu.yield
      }) : () -> ()
    } else {
    }
    %barrier3A = arith.constant 0 : index
    tpu.barrier barrier_id(%barrier3A)
    %scan3A_44 = arith.constant 0 : i32
    %scan3A_45 = arith.constant 62 : i32
    %scan3A_46 = arith.addi %scan3A_44, %scan3A_45 : i32
    %scan3A_47 = arith.constant 1 : i32
    scf.for %scan3A_64 = %scan3A_44 to %scan3A_46 step %scan3A_47  : i32 {
      %mul3A_65 = arith.constant 1 : i32
      %mul3A_66 = arith.muli %scan3A_64, %mul3A_65 : i32
      %add3A_67 = arith.constant 0 : i32
      %add3A_68 = arith.addi %add3A_67, %mul3A_66 : i32
      %mul3A_69 = arith.constant 2 : i32
      %mul3A_70 = arith.muli %mul3A_69, %add3A_68 : i32
      %add3A_71 = arith.constant 1 : i32
      %add3A_72 = arith.addi %mul3A_70, %add3A_71 : i32
      %mul3A_73 = arith.constant 80 : i32
      %mul3A_74 = arith.muli %add3A_72, %mul3A_73 : i32
      %dma_start3A_75 = tpu.memref_slice %arg6[%mul3A_74] : memref<10000xi32, #tpu.memory_space<vmem>> -> memref<80xi32, #tpu.memory_space<vmem>>
      %dma_start3A_76 = arith.constant 0 : i32
      %dma_start3A_77 = arith.constant 0 : i32
      %dma_start3A_78 = tpu.memref_slice %arg2[%dma_start3A_76, %dma_start3A_77] : memref<10000x128xf32, #tpu.memory_space<hbm>> -> memref<10000x128xf32, #tpu.memory_space<hbm>>
      tpu.enqueue_indirect_dma source(%dma_start3A_78 : memref<10000x128xf32, #tpu.memory_space<hbm>>) target(%arg9 : memref<80x128xf32, #tpu.memory_space<vmem>>) offsets(%dma_start3A_75 : memref<80xi32, #tpu.memory_space<vmem>>) semaphore(%arg12 : memref<!tpu.dma_semaphore, #tpu.memory_space<semaphore_mem>>)
      %dma_wait3A_79 = arith.constant 0 : i32
      %dma_wait3A_80 = tpu.memref_slice %arg6[%dma_wait3A_79] : memref<10000xi32, #tpu.memory_space<vmem>> -> memref<80xi32, #tpu.memory_space<vmem>>
      %dma_wait3A_81 = arith.constant 0 : i32
      %dma_wait3A_82 = arith.constant 0 : i32
      %dma_wait3A_83 = tpu.memref_slice %arg2[%dma_wait3A_81, %dma_wait3A_82] : memref<10000x128xf32, #tpu.memory_space<hbm>> -> memref<10000x128xf32, #tpu.memory_space<hbm>>
      tpu.wait_indirect_dma semaphore(%arg11 : memref<!tpu.dma_semaphore, #tpu.memory_space<semaphore_mem>>) src(%dma_wait3A_83 : memref<10000x128xf32, #tpu.memory_space<hbm>>) dst(%arg8 : memref<80x128xf32, #tpu.memory_space<vmem>>)
      "tpu.region"() ({
        %run_scoped3A_99 = tpu.sem_alloc : memref<!tpu.dma_semaphore, #tpu.memory_space<semaphore_mem>>
        %dma_start3A_100 = arith.constant 0 : i32
        %dma_start3A_101 = tpu.memref_slice %arg7[%mul3A_70, %dma_start3A_100] : memref<125x80xi32, #tpu.memory_space<vmem>> -> memref<1x80xi32, #tpu.memory_space<vmem>>
        %dma_start3A_102 = tpu.memref_squeeze %dma_start3A_101 : memref<1x80xi32, #tpu.memory_space<vmem>> -> memref<80xi32, #tpu.memory_space<vmem>>
        %dma_start3A_103 = arith.constant 0 : i32
        %dma_start3A_104 = arith.constant 0 : i32
        %dma_start3A_105 = tpu.memref_slice %arg10[%dma_start3A_103, %dma_start3A_104] : memref<10000x128xf32, #tpu.memory_space<vmem_shared>> -> memref<10000x128xf32, #tpu.memory_space<vmem_shared>>
        tpu.enqueue_indirect_dma source(%arg8 : memref<80x128xf32, #tpu.memory_space<vmem>>) target(%dma_start3A_105 : memref<10000x128xf32, #tpu.memory_space<vmem_shared>>) offsets(%dma_start3A_102 : memref<80xi32, #tpu.memory_space<vmem>>) semaphore(%run_scoped3A_99 : memref<!tpu.dma_semaphore, #tpu.memory_space<semaphore_mem>>) {add = true}
        %dma_wait3A_106 = arith.constant 0 : i32
        %dma_wait3A_107 = tpu.memref_slice %arg7[%mul3A_70, %dma_wait3A_106] : memref<125x80xi32, #tpu.memory_space<vmem>> -> memref<1x80xi32, #tpu.memory_space<vmem>>
        %dma_wait3A_108 = tpu.memref_squeeze %dma_wait3A_107 : memref<1x80xi32, #tpu.memory_space<vmem>> -> memref<80xi32, #tpu.memory_space<vmem>>
        %dma_wait3A_109 = arith.constant 0 : i32
        %dma_wait3A_110 = arith.constant 0 : i32
        %dma_wait3A_111 = tpu.memref_slice %arg10[%dma_wait3A_109, %dma_wait3A_110] : memref<10000x128xf32, #tpu.memory_space<vmem_shared>> -> memref<10000x128xf32, #tpu.memory_space<vmem_shared>>
        tpu.wait_indirect_dma semaphore(%run_scoped3A_99 : memref<!tpu.dma_semaphore, #tpu.memory_space<semaphore_mem>>) src(%arg8 : memref<80x128xf32, #tpu.memory_space<vmem>>) dst(%dma_wait3A_111 : memref<10000x128xf32, #tpu.memory_space<vmem_shared>>)
        tpu.yield
      }) : () -> ()
      %add3A_84 = arith.constant 2 : i32
      %add3A_85 = arith.addi %mul3A_70, %add3A_84 : i32
      %mul3A_86 = arith.constant 80 : i32
      %mul3A_87 = arith.muli %add3A_85, %mul3A_86 : i32
      %dma_start3A_88 = tpu.memref_slice %arg6[%mul3A_87] : memref<10000xi32, #tpu.memory_space<vmem>> -> memref<80xi32, #tpu.memory_space<vmem>>
      %dma_start3A_89 = arith.constant 0 : i32
      %dma_start3A_90 = arith.constant 0 : i32
      %dma_start3A_91 = tpu.memref_slice %arg2[%dma_start3A_89, %dma_start3A_90] : memref<10000x128xf32, #tpu.memory_space<hbm>> -> memref<10000x128xf32, #tpu.memory_space<hbm>>
      tpu.enqueue_indirect_dma source(%dma_start3A_91 : memref<10000x128xf32, #tpu.memory_space<hbm>>) target(%arg8 : memref<80x128xf32, #tpu.memory_space<vmem>>) offsets(%dma_start3A_88 : memref<80xi32, #tpu.memory_space<vmem>>) semaphore(%arg11 : memref<!tpu.dma_semaphore, #tpu.memory_space<semaphore_mem>>)
      %dma_wait3A_92 = arith.constant 0 : i32
      %dma_wait3A_93 = tpu.memref_slice %arg6[%dma_wait3A_92] : memref<10000xi32, #tpu.memory_space<vmem>> -> memref<80xi32, #tpu.memory_space<vmem>>
      %dma_wait3A_94 = arith.constant 0 : i32
      %dma_wait3A_95 = arith.constant 0 : i32
      %dma_wait3A_96 = tpu.memref_slice %arg2[%dma_wait3A_94, %dma_wait3A_95] : memref<10000x128xf32, #tpu.memory_space<hbm>> -> memref<10000x128xf32, #tpu.memory_space<hbm>>
      tpu.wait_indirect_dma semaphore(%arg12 : memref<!tpu.dma_semaphore, #tpu.memory_space<semaphore_mem>>) src(%dma_wait3A_96 : memref<10000x128xf32, #tpu.memory_space<hbm>>) dst(%arg9 : memref<80x128xf32, #tpu.memory_space<vmem>>)
      %add3A_97 = arith.constant 1 : i32
      %add3A_98 = arith.addi %mul3A_70, %add3A_97 : i32
      "tpu.region"() ({
        %run_scoped3A_99 = tpu.sem_alloc : memref<!tpu.dma_semaphore, #tpu.memory_space<semaphore_mem>>
        %dma_start3A_100 = arith.constant 0 : i32
        %dma_start3A_101 = tpu.memref_slice %arg7[%add3A_98, %dma_start3A_100] : memref<125x80xi32, #tpu.memory_space<vmem>> -> memref<1x80xi32, #tpu.memory_space<vmem>>
        %dma_start3A_102 = tpu.memref_squeeze %dma_start3A_101 : memref<1x80xi32, #tpu.memory_space<vmem>> -> memref<80xi32, #tpu.memory_space<vmem>>
        %dma_start3A_103 = arith.constant 0 : i32
        %dma_start3A_104 = arith.constant 0 : i32
        %dma_start3A_105 = tpu.memref_slice %arg10[%dma_start3A_103, %dma_start3A_104] : memref<10000x128xf32, #tpu.memory_space<vmem_shared>> -> memref<10000x128xf32, #tpu.memory_space<vmem_shared>>
        tpu.enqueue_indirect_dma source(%arg9 : memref<80x128xf32, #tpu.memory_space<vmem>>) target(%dma_start3A_105 : memref<10000x128xf32, #tpu.memory_space<vmem_shared>>) offsets(%dma_start3A_102 : memref<80xi32, #tpu.memory_space<vmem>>) semaphore(%run_scoped3A_99 : memref<!tpu.dma_semaphore, #tpu.memory_space<semaphore_mem>>) {add = true}
        %dma_wait3A_106 = arith.constant 0 : i32
        %dma_wait3A_107 = tpu.memref_slice %arg7[%add3A_98, %dma_wait3A_106] : memref<125x80xi32, #tpu.memory_space<vmem>> -> memref<1x80xi32, #tpu.memory_space<vmem>>
        %dma_wait3A_108 = tpu.memref_squeeze %dma_wait3A_107 : memref<1x80xi32, #tpu.memory_space<vmem>> -> memref<80xi32, #tpu.memory_space<vmem>>
        %dma_wait3A_109 = arith.constant 0 : i32
        %dma_wait3A_110 = arith.constant 0 : i32
        %dma_wait3A_111 = tpu.memref_slice %arg10[%dma_wait3A_109, %dma_wait3A_110] : memref<10000x128xf32, #tpu.memory_space<vmem_shared>> -> memref<10000x128xf32, #tpu.memory_space<vmem_shared>>
        tpu.wait_indirect_dma semaphore(%run_scoped3A_99 : memref<!tpu.dma_semaphore, #tpu.memory_space<semaphore_mem>>) src(%arg9 : memref<80x128xf32, #tpu.memory_space<vmem>>) dst(%dma_wait3A_111 : memref<10000x128xf32, #tpu.memory_space<vmem_shared>>)
        tpu.yield
      }) : () -> ()
    }
    %scan3A_48 = arith.constant 62 : i32
    %dma_wait3A_49 = arith.constant 0 : i32
    %dma_wait3A_50 = tpu.memref_slice %arg6[%dma_wait3A_49] : memref<10000xi32, #tpu.memory_space<vmem>> -> memref<80xi32, #tpu.memory_space<vmem>>
    %dma_wait3A_51 = arith.constant 0 : i32
    %dma_wait3A_52 = arith.constant 0 : i32
    %dma_wait3A_53 = tpu.memref_slice %arg2[%dma_wait3A_51, %dma_wait3A_52] : memref<10000x128xf32, #tpu.memory_space<hbm>> -> memref<10000x128xf32, #tpu.memory_space<hbm>>
    tpu.wait_indirect_dma semaphore(%arg11 : memref<!tpu.dma_semaphore, #tpu.memory_space<semaphore_mem>>) src(%dma_wait3A_53 : memref<10000x128xf32, #tpu.memory_space<hbm>>) dst(%arg8 : memref<80x128xf32, #tpu.memory_space<vmem>>)
    %run_scoped3A = arith.constant 124 : i32
    "tpu.region"() ({
      %run_scoped3A_64 = tpu.sem_alloc : memref<!tpu.dma_semaphore, #tpu.memory_space<semaphore_mem>>
      %dma_start3A_65 = arith.constant 0 : i32
      %dma_start3A_66 = tpu.memref_slice %arg7[%run_scoped3A, %dma_start3A_65] : memref<125x80xi32, #tpu.memory_space<vmem>> -> memref<1x80xi32, #tpu.memory_space<vmem>>
      %dma_start3A_67 = tpu.memref_squeeze %dma_start3A_66 : memref<1x80xi32, #tpu.memory_space<vmem>> -> memref<80xi32, #tpu.memory_space<vmem>>
      %dma_start3A_68 = arith.constant 0 : i32
      %dma_start3A_69 = arith.constant 0 : i32
      %dma_start3A_70 = tpu.memref_slice %arg10[%dma_start3A_68, %dma_start3A_69] : memref<10000x128xf32, #tpu.memory_space<vmem_shared>> -> memref<10000x128xf32, #tpu.memory_space<vmem_shared>>
      tpu.enqueue_indirect_dma source(%arg8 : memref<80x128xf32, #tpu.memory_space<vmem>>) target(%dma_start3A_70 : memref<10000x128xf32, #tpu.memory_space<vmem_shared>>) offsets(%dma_start3A_67 : memref<80xi32, #tpu.memory_space<vmem>>) semaphore(%run_scoped3A_64 : memref<!tpu.dma_semaphore, #tpu.memory_space<semaphore_mem>>) {add = true}
      %dma_wait3A_71 = arith.constant 0 : i32
      %dma_wait3A_72 = tpu.memref_slice %arg7[%run_scoped3A, %dma_wait3A_71] : memref<125x80xi32, #tpu.memory_space<vmem>> -> memref<1x80xi32, #tpu.memory_space<vmem>>
      %dma_wait3A_73 = tpu.memref_squeeze %dma_wait3A_72 : memref<1x80xi32, #tpu.memory_space<vmem>> -> memref<80xi32, #tpu.memory_space<vmem>>
      %dma_wait3A_74 = arith.constant 0 : i32
      %dma_wait3A_75 = arith.constant 0 : i32
      %dma_wait3A_76 = tpu.memref_slice %arg10[%dma_wait3A_74, %dma_wait3A_75] : memref<10000x128xf32, #tpu.memory_space<vmem_shared>> -> memref<10000x128xf32, #tpu.memory_space<vmem_shared>>
      tpu.wait_indirect_dma semaphore(%run_scoped3A_64 : memref<!tpu.dma_semaphore, #tpu.memory_space<semaphore_mem>>) src(%arg8 : memref<80x128xf32, #tpu.memory_space<vmem>>) dst(%dma_wait3A_76 : memref<10000x128xf32, #tpu.memory_space<vmem_shared>>)
      tpu.yield
    }) : () -> ()
    %barrier3A_54 = arith.constant 0 : index
    tpu.barrier barrier_id(%barrier3A_54)
    %mul3A_55 = arith.constant 624 : i32
    %mul3A_56 = arith.muli %arg1, %mul3A_55 : i32
    %mul3A_57 = arith.constant 624 : i32
    %mul3A_58 = arith.muli %arg1, %mul3A_57 : i32
    "tpu.region"() ({
      %run_scoped3A_64 = tpu.sem_alloc : memref<!tpu.dma_semaphore, #tpu.memory_space<semaphore_mem>>
      %dma_start3A_65 = arith.constant 0 : i32
      %dma_start3A_66 = tpu.memref_slice %arg5[%arg0, %mul3A_58, %dma_start3A_65] : memref<2x10000x128xf32, #tpu.memory_space<hbm>> -> memref<1x624x128xf32, #tpu.memory_space<hbm>>
      %dma_start3A_67 = tpu.memref_squeeze %dma_start3A_66 : memref<1x624x128xf32, #tpu.memory_space<hbm>> -> memref<624x128xf32, #tpu.memory_space<hbm>>
      %dma_start3A_68 = arith.constant 0 : i32
      %dma_start3A_69 = tpu.memref_slice %arg10[%mul3A_56, %dma_start3A_68] : memref<10000x128xf32, #tpu.memory_space<vmem_shared>> -> memref<624x128xf32, #tpu.memory_space<vmem_shared>>
      tpu.enqueue_dma source(%dma_start3A_69 : memref<624x128xf32, #tpu.memory_space<vmem_shared>>) target(%dma_start3A_67 : memref<624x128xf32, #tpu.memory_space<hbm>>) target_semaphore(%run_scoped3A_64 : memref<!tpu.dma_semaphore, #tpu.memory_space<semaphore_mem>>)
      %dma_wait3A_70 = arith.constant 0 : i32
      %dma_wait3A_71 = tpu.memref_slice %arg5[%arg0, %mul3A_58, %dma_wait3A_70] : memref<2x10000x128xf32, #tpu.memory_space<hbm>> -> memref<1x624x128xf32, #tpu.memory_space<hbm>>
      %dma_wait3A_72 = tpu.memref_squeeze %dma_wait3A_71 : memref<1x624x128xf32, #tpu.memory_space<hbm>> -> memref<624x128xf32, #tpu.memory_space<hbm>>
      %dma_wait3A_73 = arith.constant 0 : i32
      %dma_wait3A_74 = tpu.memref_slice %arg10[%mul3A_56, %dma_wait3A_73] : memref<10000x128xf32, #tpu.memory_space<vmem_shared>> -> memref<624x128xf32, #tpu.memory_space<vmem_shared>>
      tpu.wait_dma2 semaphore(%run_scoped3A_64 : memref<!tpu.dma_semaphore, #tpu.memory_space<semaphore_mem>>) src(%dma_wait3A_74 : memref<624x128xf32, #tpu.memory_space<vmem_shared>>) dst(%dma_wait3A_72 : memref<624x128xf32, #tpu.memory_space<hbm>>)
      tpu.yield
    }) : () -> ()
    %eq3A_59 = arith.constant 15 : i32
    %eq3A_60 = arith.cmpi eq, %arg1, %eq3A_59 : i32
    %convert_element_type3A_61 = arith.extui %eq3A_60 : i1 to i32
    %cond3A_62 = arith.constant 0 : i32
    %cond3A_63 = arith.cmpi ne, %convert_element_type3A_61, %cond3A_62 : i32
    scf.if %cond3A_63 {
      "tpu.region"() ({
        %run_scoped3A_64 = tpu.sem_alloc : memref<!tpu.dma_semaphore, #tpu.memory_space<semaphore_mem>>
        %dma_start3A_65 = arith.constant 9984 : i32
        %dma_start3A_66 = arith.constant 0 : i32
        %dma_start3A_67 = tpu.memref_slice %arg5[%arg0, %dma_start3A_65, %dma_start3A_66] : memref<2x10000x128xf32, #tpu.memory_space<hbm>> -> memref<1x16x128xf32, #tpu.memory_space<hbm>>
        %dma_start3A_68 = tpu.memref_squeeze %dma_start3A_67 : memref<1x16x128xf32, #tpu.memory_space<hbm>> -> memref<16x128xf32, #tpu.memory_space<hbm>>
        %dma_start3A_69 = arith.constant 9984 : i32
        %dma_start3A_70 = arith.constant 0 : i32
        %dma_start3A_71 = tpu.memref_slice %arg10[%dma_start3A_69, %dma_start3A_70] : memref<10000x128xf32, #tpu.memory_space<vmem_shared>> -> memref<16x128xf32, #tpu.memory_space<vmem_shared>>
        tpu.enqueue_dma source(%dma_start3A_71 : memref<16x128xf32, #tpu.memory_space<vmem_shared>>) target(%dma_start3A_68 : memref<16x128xf32, #tpu.memory_space<hbm>>) target_semaphore(%run_scoped3A_64 : memref<!tpu.dma_semaphore, #tpu.memory_space<semaphore_mem>>)
        %dma_wait3A_72 = arith.constant 9984 : i32
        %dma_wait3A_73 = arith.constant 0 : i32
        %dma_wait3A_74 = tpu.memref_slice %arg5[%arg0, %dma_wait3A_72, %dma_wait3A_73] : memref<2x10000x128xf32, #tpu.memory_space<hbm>> -> memref<1x16x128xf32, #tpu.memory_space<hbm>>
        %dma_wait3A_75 = tpu.memref_squeeze %dma_wait3A_74 : memref<1x16x128xf32, #tpu.memory_space<hbm>> -> memref<16x128xf32, #tpu.memory_space<hbm>>
        %dma_wait3A_76 = arith.constant 9984 : i32
        %dma_wait3A_77 = arith.constant 0 : i32
        %dma_wait3A_78 = tpu.memref_slice %arg10[%dma_wait3A_76, %dma_wait3A_77] : memref<10000x128xf32, #tpu.memory_space<vmem_shared>> -> memref<16x128xf32, #tpu.memory_space<vmem_shared>>
        tpu.wait_dma2 semaphore(%run_scoped3A_64 : memref<!tpu.dma_semaphore, #tpu.memory_space<semaphore_mem>>) src(%dma_wait3A_78 : memref<16x128xf32, #tpu.memory_space<vmem_shared>>) dst(%dma_wait3A_75 : memref<16x128xf32, #tpu.memory_space<hbm>>)
        tpu.yield
      }) : () -> ()
    } else {
    }
    return
  }
}

#map = affine_map<(d0, d1) -> (0, 0)>
#map1 = affine_map<(d0, d1) -> (0)>
#map2 = affine_map<(d0, d1) -> (0, 0, 0)>
module attributes {stable_mosaic.version = 14 : i64} {
  func.func @agg(%arg0: i32, %arg1: i32, %arg2: memref<10000x128xf32, #tpu.memory_space<hbm>>, %arg3: memref<320000xi32, #tpu.memory_space<hbm>>, %arg4: memref<32x125x80xi32, #tpu.memory_space<hbm>>, %arg5: memref<2x10000x128xf32, #tpu.memory_space<hbm>>, %arg6: memref<10000xi32, #tpu.memory_space<vmem>>, %arg7: memref<125x80xi32, #tpu.memory_space<vmem>>, %arg8: memref<80x128xf32, #tpu.memory_space<vmem>>, %arg9: memref<80x128xf32, #tpu.memory_space<vmem>>, %arg10: memref<10000x128xf32, #tpu.memory_space<vmem_shared>>, %arg11: memref<!tpu.dma_semaphore, #tpu.memory_space<semaphore_mem>>, %arg12: memref<!tpu.dma_semaphore, #tpu.memory_space<semaphore_mem>>) attributes {dimension_semantics = [#tpu.dimension_semantics<core_parallel>, #tpu.dimension_semantics<subcore_parallel>], iteration_bounds = array<i64: 2, 16>, scalar_prefetch = 0 : i64, scratch_operands = 7 : i64, tpu.core_type = #tpu.core_type<sc_vector_subcore>, window_params = [{transform_indices = #map}, {transform_indices = #map1}, {transform_indices = #map2}, {transform_indices = #map2}]} {
    %mul3A = arith.constant 2 : i32
    %mul3A_0 = arith.muli %arg1, %mul3A : i32
    %add3A = arith.addi %mul3A_0, %arg0 : i32
    %mul3A_1 = arith.constant 10000 : i32
    %mul3A_2 = arith.muli %add3A, %mul3A_1 : i32
    %dma_start3A = tpu.memref_slice %arg3[%mul3A_2] : memref<320000xi32, #tpu.memory_space<hbm>> -> memref<10000xi32, #tpu.memory_space<hbm>>
    %dma_start3A_3 = tpu.memref_slice %arg3[%mul3A_2] : memref<320000xi32, #tpu.memory_space<hbm>> -> memref<10000xi32, #tpu.memory_space<hbm>>
    tpu.enqueue_dma source(%dma_start3A_3 : memref<10000xi32, #tpu.memory_space<hbm>>) target(%arg6 : memref<10000xi32, #tpu.memory_space<vmem>>) target_semaphore(%arg11 : memref<!tpu.dma_semaphore, #tpu.memory_space<semaphore_mem>>)
    %dma_start3A_4 = arith.constant 0 : i32
    %dma_start3A_5 = arith.constant 0 : i32
    %dma_start3A_6 = tpu.memref_slice %arg4[%add3A, %dma_start3A_4, %dma_start3A_5] : memref<32x125x80xi32, #tpu.memory_space<hbm>> -> memref<1x125x80xi32, #tpu.memory_space<hbm>>
    %dma_start3A_7 = tpu.memref_squeeze %dma_start3A_6 : memref<1x125x80xi32, #tpu.memory_space<hbm>> -> memref<125x80xi32, #tpu.memory_space<hbm>>
    %dma_start3A_8 = arith.constant 0 : i32
    %dma_start3A_9 = arith.constant 0 : i32
    %dma_start3A_10 = tpu.memref_slice %arg4[%add3A, %dma_start3A_8, %dma_start3A_9] : memref<32x125x80xi32, #tpu.memory_space<hbm>> -> memref<1x125x80xi32, #tpu.memory_space<hbm>>
    %dma_start3A_11 = tpu.memref_squeeze %dma_start3A_10 : memref<1x125x80xi32, #tpu.memory_space<hbm>> -> memref<125x80xi32, #tpu.memory_space<hbm>>
    tpu.enqueue_dma source(%dma_start3A_11 : memref<125x80xi32, #tpu.memory_space<hbm>>) target(%arg7 : memref<125x80xi32, #tpu.memory_space<vmem>>) target_semaphore(%arg12 : memref<!tpu.dma_semaphore, #tpu.memory_space<semaphore_mem>>)
    %scan3A = arith.constant 0 : i32
    %scan3A_12 = arith.constant 80 : i32
    %scan3A_13 = arith.addi %scan3A, %scan3A_12 : i32
    %scan3A_14 = arith.constant 1 : i32
    scf.for %scan3A_64 = %scan3A to %scan3A_13 step %scan3A_14  : i32 {
      %mul3A_65 = arith.constant 1 : i32
      %mul3A_66 = arith.muli %scan3A_64, %mul3A_65 : i32
      %add3A_67 = arith.constant 0 : i32
      %add3A_68 = arith.addi %add3A_67, %mul3A_66 : i32
      %scan3A_69 = arith.constant 0 : i32
      %scan3A_70 = arith.constant 8 : i32
      %scan3A_71 = arith.addi %scan3A_69, %scan3A_70 : i32
      %scan3A_72 = arith.constant 1 : i32
      scf.for %scan3A_74 = %scan3A_69 to %scan3A_71 step %scan3A_72  : i32 {
        %mul3A_75 = arith.constant 1 : i32
        %mul3A_76 = arith.muli %scan3A_74, %mul3A_75 : i32
        %add3A_77 = arith.constant 0 : i32
        %add3A_78 = arith.addi %add3A_77, %mul3A_76 : i32
        %broadcast_in_dim3A = arith.constant 0.000000e+00 : f32
        %broadcast_in_dim3A_79 = vector.broadcast %broadcast_in_dim3A : f32 to vector<16xf32>
        %mul3A_80 = arith.constant 16 : i32
        %mul3A_81 = arith.muli %add3A_78, %mul3A_80 : i32
        %swap3A = arith.index_cast %add3A_68 : i32 to index
        %swap3A_82 = arith.index_cast %mul3A_81 : i32 to index
        %swap3A_83 = tpu.vector_load %arg9[%swap3A, %swap3A_82] {strides = array<i32>} : memref<80x128xf32, #tpu.memory_space<vmem>>, vector<1x16xf32>,
        %swap3A_84 = vector.shape_cast %swap3A_83 : vector<1x16xf32> to vector<16xf32>
        %swap3A_85 = vector.shape_cast %broadcast_in_dim3A_79 : vector<16xf32> to vector<1x16xf32>
        tpu.vector_store %arg9[%swap3A, %swap3A_82], %swap3A_85 {strides = array<i32>} : memref<80x128xf32, #tpu.memory_space<vmem>>, vector<1x16xf32>,
      }
      %scan3A_73 = arith.constant 8 : i32
    }
    %scan3A_15 = arith.constant 80 : i32
    %dma_wait3A = arith.constant 0 : i32
    %dma_wait3A_16 = tpu.memref_slice %arg3[%dma_wait3A] : memref<320000xi32, #tpu.memory_space<hbm>> -> memref<10000xi32, #tpu.memory_space<hbm>>
    %dma_wait3A_17 = arith.constant 0 : i32
    %dma_wait3A_18 = tpu.memref_slice %arg3[%dma_wait3A_17] : memref<320000xi32, #tpu.memory_space<hbm>> -> memref<10000xi32, #tpu.memory_space<hbm>>
    tpu.wait_dma2 semaphore(%arg11 : memref<!tpu.dma_semaphore, #tpu.memory_space<semaphore_mem>>) src(%dma_wait3A_18 : memref<10000xi32, #tpu.memory_space<hbm>>) dst(%arg6 : memref<10000xi32, #tpu.memory_space<vmem>>)
    %dma_wait3A_19 = arith.constant 0 : i32
    %dma_wait3A_20 = arith.constant 0 : i32
    %dma_wait3A_21 = arith.constant 0 : i32
    %dma_wait3A_22 = tpu.memref_slice %arg4[%dma_wait3A_19, %dma_wait3A_20, %dma_wait3A_21] : memref<32x125x80xi32, #tpu.memory_space<hbm>> -> memref<1x125x80xi32, #tpu.memory_space<hbm>>
    %dma_wait3A_23 = tpu.memref_squeeze %dma_wait3A_22 : memref<1x125x80xi32, #tpu.memory_space<hbm>> -> memref<125x80xi32, #tpu.memory_space<hbm>>
    %dma_wait3A_24 = arith.constant 0 : i32
    %dma_wait3A_25 = arith.constant 0 : i32
    %dma_wait3A_26 = tpu.memref_slice %arg4[%dma_wait3A_19, %dma_wait3A_24, %dma_wait3A_25] : memref<32x125x80xi32, #tpu.memory_space<hbm>> -> memref<1x125x80xi32, #tpu.memory_space<hbm>>
    %dma_wait3A_27 = tpu.memref_squeeze %dma_wait3A_26 : memref<1x125x80xi32, #tpu.memory_space<hbm>> -> memref<125x80xi32, #tpu.memory_space<hbm>>
    tpu.wait_dma2 semaphore(%arg12 : memref<!tpu.dma_semaphore, #tpu.memory_space<semaphore_mem>>) src(%dma_wait3A_27 : memref<125x80xi32, #tpu.memory_space<hbm>>) dst(%arg7 : memref<125x80xi32, #tpu.memory_space<vmem>>)
    %dma_start3A_28 = arith.constant 0 : i32
    %dma_start3A_29 = tpu.memref_slice %arg6[%dma_start3A_28] : memref<10000xi32, #tpu.memory_space<vmem>> -> memref<80xi32, #tpu.memory_space<vmem>>
    %dma_start3A_30 = arith.constant 0 : i32
    %dma_start3A_31 = arith.constant 0 : i32
    %dma_start3A_32 = tpu.memref_slice %arg2[%dma_start3A_30, %dma_start3A_31] : memref<10000x128xf32, #tpu.memory_space<hbm>> -> memref<10000x128xf32, #tpu.memory_space<hbm>>
    tpu.enqueue_indirect_dma source(%dma_start3A_32 : memref<10000x128xf32, #tpu.memory_space<hbm>>) target(%arg8 : memref<80x128xf32, #tpu.memory_space<vmem>>) offsets(%dma_start3A_29 : memref<80xi32, #tpu.memory_space<vmem>>) semaphore(%arg11 : memref<!tpu.dma_semaphore, #tpu.memory_space<semaphore_mem>>)
    %scan3A_33 = arith.constant 0 : i32
    %scan3A_34 = arith.constant 7 : i32
    %scan3A_35 = arith.addi %scan3A_33, %scan3A_34 : i32
    %scan3A_36 = arith.constant 1 : i32
    scf.for %scan3A_64 = %scan3A_33 to %scan3A_35 step %scan3A_36  : i32 {
      %mul3A_65 = arith.constant 1 : i32
      %mul3A_66 = arith.muli %scan3A_64, %mul3A_65 : i32
      %add3A_67 = arith.constant 0 : i32
      %add3A_68 = arith.addi %add3A_67, %mul3A_66 : i32
      %mul3A_69 = arith.constant 624 : i32
      %mul3A_70 = arith.muli %arg1, %mul3A_69 : i32
      %mul3A_71 = arith.constant 80 : i32
      %mul3A_72 = arith.muli %add3A_68, %mul3A_71 : i32
      %add3A_73 = arith.addi %mul3A_70, %mul3A_72 : i32
      "tpu.region"() ({
        %run_scoped3A_74 = tpu.sem_alloc : memref<!tpu.dma_semaphore, #tpu.memory_space<semaphore_mem>>
        %dma_start3A_75 = arith.constant 0 : i32
        %dma_start3A_76 = tpu.memref_slice %arg10[%add3A_73, %dma_start3A_75] : memref<10000x128xf32, #tpu.memory_space<vmem_shared>> -> memref<80x128xf32, #tpu.memory_space<vmem_shared>>
        %dma_start3A_77 = arith.constant 0 : i32
        %dma_start3A_78 = tpu.memref_slice %arg10[%add3A_73, %dma_start3A_77] : memref<10000x128xf32, #tpu.memory_space<vmem_shared>> -> memref<80x128xf32, #tpu.memory_space<vmem_shared>>
        tpu.enqueue_dma source(%arg9 : memref<80x128xf32, #tpu.memory_space<vmem>>) target(%dma_start3A_78 : memref<80x128xf32, #tpu.memory_space<vmem_shared>>) target_semaphore(%run_scoped3A_74 : memref<!tpu.dma_semaphore, #tpu.memory_space<semaphore_mem>>)
        %dma_wait3A_79 = arith.constant 0 : i32
        %dma_wait3A_80 = tpu.memref_slice %arg10[%add3A_73, %dma_wait3A_79] : memref<10000x128xf32, #tpu.memory_space<vmem_shared>> -> memref<80x128xf32, #tpu.memory_space<vmem_shared>>
        %dma_wait3A_81 = arith.constant 0 : i32
        %dma_wait3A_82 = tpu.memref_slice %arg10[%add3A_73, %dma_wait3A_81] : memref<10000x128xf32, #tpu.memory_space<vmem_shared>> -> memref<80x128xf32, #tpu.memory_space<vmem_shared>>
        tpu.wait_dma2 semaphore(%run_scoped3A_74 : memref<!tpu.dma_semaphore, #tpu.memory_space<semaphore_mem>>) src(%arg9 : memref<80x128xf32, #tpu.memory_space<vmem>>) dst(%dma_wait3A_82 : memref<80x128xf32, #tpu.memory_space<vmem_shared>>)
        tpu.yield
      }) : () -> ()
    }
    %scan3A_37 = arith.constant 7 : i32
    %mul3A_38 = arith.constant 624 : i32
    %mul3A_39 = arith.muli %arg1, %mul3A_38 : i32
    %add3A_40 = arith.constant 560 : i32
    %add3A_41 = arith.addi %mul3A_39, %add3A_40 : i32
    "tpu.region"() ({
      %run_scoped3A_64 = tpu.sem_alloc : memref<!tpu.dma_semaphore, #tpu.memory_space<semaphore_mem>>
      %dma_start3A_65 = arith.constant 0 : i32
      %dma_start3A_66 = arith.constant 0 : i32
      %dma_start3A_67 = tpu.memref_slice %arg9[%dma_start3A_65, %dma_start3A_66] : memref<80x128xf32, #tpu.memory_space<vmem>> -> memref<64x128xf32, #tpu.memory_space<vmem>>
      %dma_start3A_68 = arith.constant 0 : i32
      %dma_start3A_69 = tpu.memref_slice %arg10[%add3A_41, %dma_start3A_68] : memref<10000x128xf32, #tpu.memory_space<vmem_shared>> -> memref<64x128xf32, #tpu.memory_space<vmem_shared>>
      %dma_start3A_70 = arith.constant 0 : i32
      %dma_start3A_71 = tpu.memref_slice %arg10[%add3A_41, %dma_start3A_70] : memref<10000x128xf32, #tpu.memory_space<vmem_shared>> -> memref<64x128xf32, #tpu.memory_space<vmem_shared>>
      %dma_start3A_72 = arith.constant 0 : i32
      %dma_start3A_73 = arith.constant 0 : i32
      %dma_start3A_74 = tpu.memref_slice %arg9[%dma_start3A_72, %dma_start3A_73] : memref<80x128xf32, #tpu.memory_space<vmem>> -> memref<64x128xf32, #tpu.memory_space<vmem>>
      tpu.enqueue_dma source(%dma_start3A_74 : memref<64x128xf32, #tpu.memory_space<vmem>>) target(%dma_start3A_71 : memref<64x128xf32, #tpu.memory_space<vmem_shared>>) target_semaphore(%run_scoped3A_64 : memref<!tpu.dma_semaphore, #tpu.memory_space<semaphore_mem>>)
      %dma_wait3A_75 = arith.constant 0 : i32
      %dma_wait3A_76 = arith.constant 0 : i32
      %dma_wait3A_77 = tpu.memref_slice %arg9[%dma_wait3A_75, %dma_wait3A_76] : memref<80x128xf32, #tpu.memory_space<vmem>> -> memref<64x128xf32, #tpu.memory_space<vmem>>
      %dma_wait3A_78 = arith.constant 0 : i32
      %dma_wait3A_79 = tpu.memref_slice %arg10[%add3A_41, %dma_wait3A_78] : memref<10000x128xf32, #tpu.memory_space<vmem_shared>> -> memref<64x128xf32, #tpu.memory_space<vmem_shared>>
      %dma_wait3A_80 = arith.constant 0 : i32
      %dma_wait3A_81 = tpu.memref_slice %arg10[%add3A_41, %dma_wait3A_80] : memref<10000x128xf32, #tpu.memory_space<vmem_shared>> -> memref<64x128xf32, #tpu.memory_space<vmem_shared>>
      %dma_wait3A_82 = arith.constant 0 : i32
      %dma_wait3A_83 = arith.constant 0 : i32
      %dma_wait3A_84 = tpu.memref_slice %arg9[%dma_wait3A_82, %dma_wait3A_83] : memref<80x128xf32, #tpu.memory_space<vmem>> -> memref<64x128xf32, #tpu.memory_space<vmem>>
      tpu.wait_dma2 semaphore(%run_scoped3A_64 : memref<!tpu.dma_semaphore, #tpu.memory_space<semaphore_mem>>) src(%dma_wait3A_84 : memref<64x128xf32, #tpu.memory_space<vmem>>) dst(%dma_wait3A_81 : memref<64x128xf32, #tpu.memory_space<vmem_shared>>)
      tpu.yield
    }) : () -> ()
    %eq3A = arith.constant 15 : i32
    %eq3A_42 = arith.cmpi eq, %arg1, %eq3A : i32
    %convert_element_type3A = arith.extui %eq3A_42 : i1 to i32
    %cond3A = arith.constant 0 : i32
    %cond3A_43 = arith.cmpi ne, %convert_element_type3A, %cond3A : i32
    scf.if %cond3A_43 {
      "tpu.region"() ({
        %run_scoped3A_64 = tpu.sem_alloc : memref<!tpu.dma_semaphore, #tpu.memory_space<semaphore_mem>>
        %dma_start3A_65 = arith.constant 0 : i32
        %dma_start3A_66 = arith.constant 0 : i32
        %dma_start3A_67 = tpu.memref_slice %arg9[%dma_start3A_65, %dma_start3A_66] : memref<80x128xf32, #tpu.memory_space<vmem>> -> memref<16x128xf32, #tpu.memory_space<vmem>>
        %dma_start3A_68 = arith.constant 9984 : i32
        %dma_start3A_69 = arith.constant 0 : i32
        %dma_start3A_70 = tpu.memref_slice %arg10[%dma_start3A_68, %dma_start3A_69] : memref<10000x128xf32, #tpu.memory_space<vmem_shared>> -> memref<16x128xf32, #tpu.memory_space<vmem_shared>>
        %dma_start3A_71 = arith.constant 9984 : i32
        %dma_start3A_72 = arith.constant 0 : i32
        %dma_start3A_73 = tpu.memref_slice %arg10[%dma_start3A_71, %dma_start3A_72] : memref<10000x128xf32, #tpu.memory_space<vmem_shared>> -> memref<16x128xf32, #tpu.memory_space<vmem_shared>>
        %dma_start3A_74 = arith.constant 0 : i32
        %dma_start3A_75 = arith.constant 0 : i32
        %dma_start3A_76 = tpu.memref_slice %arg9[%dma_start3A_74, %dma_start3A_75] : memref<80x128xf32, #tpu.memory_space<vmem>> -> memref<16x128xf32, #tpu.memory_space<vmem>>
        tpu.enqueue_dma source(%dma_start3A_76 : memref<16x128xf32, #tpu.memory_space<vmem>>) target(%dma_start3A_73 : memref<16x128xf32, #tpu.memory_space<vmem_shared>>) target_semaphore(%run_scoped3A_64 : memref<!tpu.dma_semaphore, #tpu.memory_space<semaphore_mem>>)
        %dma_wait3A_77 = arith.constant 0 : i32
        %dma_wait3A_78 = arith.constant 0 : i32
        %dma_wait3A_79 = tpu.memref_slice %arg9[%dma_wait3A_77, %dma_wait3A_78] : memref<80x128xf32, #tpu.memory_space<vmem>> -> memref<16x128xf32, #tpu.memory_space<vmem>>
        %dma_wait3A_80 = arith.constant 9984 : i32
        %dma_wait3A_81 = arith.constant 0 : i32
        %dma_wait3A_82 = tpu.memref_slice %arg10[%dma_wait3A_80, %dma_wait3A_81] : memref<10000x128xf32, #tpu.memory_space<vmem_shared>> -> memref<16x128xf32, #tpu.memory_space<vmem_shared>>
        %dma_wait3A_83 = arith.constant 9984 : i32
        %dma_wait3A_84 = arith.constant 0 : i32
        %dma_wait3A_85 = tpu.memref_slice %arg10[%dma_wait3A_83, %dma_wait3A_84] : memref<10000x128xf32, #tpu.memory_space<vmem_shared>> -> memref<16x128xf32, #tpu.memory_space<vmem_shared>>
        %dma_wait3A_86 = arith.constant 0 : i32
        %dma_wait3A_87 = arith.constant 0 : i32
        %dma_wait3A_88 = tpu.memref_slice %arg9[%dma_wait3A_86, %dma_wait3A_87] : memref<80x128xf32, #tpu.memory_space<vmem>> -> memref<16x128xf32, #tpu.memory_space<vmem>>
        tpu.wait_dma2 semaphore(%run_scoped3A_64 : memref<!tpu.dma_semaphore, #tpu.memory_space<semaphore_mem>>) src(%dma_wait3A_88 : memref<16x128xf32, #tpu.memory_space<vmem>>) dst(%dma_wait3A_85 : memref<16x128xf32, #tpu.memory_space<vmem_shared>>)
        tpu.yield
      }) : () -> ()
    } else {
    }
    %barrier3A = arith.constant 0 : index
    tpu.barrier barrier_id(%barrier3A)
    %scan3A_44 = arith.constant 0 : i32
    %scan3A_45 = arith.constant 62 : i32
    %scan3A_46 = arith.addi %scan3A_44, %scan3A_45 : i32
    %scan3A_47 = arith.constant 1 : i32
    scf.for %scan3A_64 = %scan3A_44 to %scan3A_46 step %scan3A_47  : i32 {
      %mul3A_65 = arith.constant 1 : i32
      %mul3A_66 = arith.muli %scan3A_64, %mul3A_65 : i32
      %add3A_67 = arith.constant 0 : i32
      %add3A_68 = arith.addi %add3A_67, %mul3A_66 : i32
      %mul3A_69 = arith.constant 2 : i32
      %mul3A_70 = arith.muli %mul3A_69, %add3A_68 : i32
      %add3A_71 = arith.constant 1 : i32
      %add3A_72 = arith.addi %mul3A_70, %add3A_71 : i32
      %mul3A_73 = arith.constant 80 : i32
      %mul3A_74 = arith.muli %add3A_72, %mul3A_73 : i32
      %dma_start3A_75 = tpu.memref_slice %arg6[%mul3A_74] : memref<10000xi32, #tpu.memory_space<vmem>> -> memref<80xi32, #tpu.memory_space<vmem>>
      %dma_start3A_76 = arith.constant 0 : i32
      %dma_start3A_77 = arith.constant 0 : i32
      %dma_start3A_78 = tpu.memref_slice %arg2[%dma_start3A_76, %dma_start3A_77] : memref<10000x128xf32, #tpu.memory_space<hbm>> -> memref<10000x128xf32, #tpu.memory_space<hbm>>
      tpu.enqueue_indirect_dma source(%dma_start3A_78 : memref<10000x128xf32, #tpu.memory_space<hbm>>) target(%arg9 : memref<80x128xf32, #tpu.memory_space<vmem>>) offsets(%dma_start3A_75 : memref<80xi32, #tpu.memory_space<vmem>>) semaphore(%arg12 : memref<!tpu.dma_semaphore, #tpu.memory_space<semaphore_mem>>)
      %dma_wait3A_79 = arith.constant 0 : i32
      %dma_wait3A_80 = tpu.memref_slice %arg6[%dma_wait3A_79] : memref<10000xi32, #tpu.memory_space<vmem>> -> memref<80xi32, #tpu.memory_space<vmem>>
      %dma_wait3A_81 = arith.constant 0 : i32
      %dma_wait3A_82 = arith.constant 0 : i32
      %dma_wait3A_83 = tpu.memref_slice %arg2[%dma_wait3A_81, %dma_wait3A_82] : memref<10000x128xf32, #tpu.memory_space<hbm>> -> memref<10000x128xf32, #tpu.memory_space<hbm>>
      tpu.wait_indirect_dma semaphore(%arg11 : memref<!tpu.dma_semaphore, #tpu.memory_space<semaphore_mem>>) src(%dma_wait3A_83 : memref<10000x128xf32, #tpu.memory_space<hbm>>) dst(%arg8 : memref<80x128xf32, #tpu.memory_space<vmem>>)
      "tpu.region"() ({
        %run_scoped3A_99 = tpu.sem_alloc : memref<!tpu.dma_semaphore, #tpu.memory_space<semaphore_mem>>
        %dma_start3A_100 = arith.constant 0 : i32
        %dma_start3A_101 = tpu.memref_slice %arg7[%mul3A_70, %dma_start3A_100] : memref<125x80xi32, #tpu.memory_space<vmem>> -> memref<1x80xi32, #tpu.memory_space<vmem>>
        %dma_start3A_102 = tpu.memref_squeeze %dma_start3A_101 : memref<1x80xi32, #tpu.memory_space<vmem>> -> memref<80xi32, #tpu.memory_space<vmem>>
        %dma_start3A_103 = arith.constant 0 : i32
        %dma_start3A_104 = arith.constant 0 : i32
        %dma_start3A_105 = tpu.memref_slice %arg10[%dma_start3A_103, %dma_start3A_104] : memref<10000x128xf32, #tpu.memory_space<vmem_shared>> -> memref<10000x128xf32, #tpu.memory_space<vmem_shared>>
        tpu.enqueue_indirect_dma source(%arg8 : memref<80x128xf32, #tpu.memory_space<vmem>>) target(%dma_start3A_105 : memref<10000x128xf32, #tpu.memory_space<vmem_shared>>) offsets(%dma_start3A_102 : memref<80xi32, #tpu.memory_space<vmem>>) semaphore(%run_scoped3A_99 : memref<!tpu.dma_semaphore, #tpu.memory_space<semaphore_mem>>) {add = true}
        %dma_wait3A_106 = arith.constant 0 : i32
        %dma_wait3A_107 = tpu.memref_slice %arg7[%mul3A_70, %dma_wait3A_106] : memref<125x80xi32, #tpu.memory_space<vmem>> -> memref<1x80xi32, #tpu.memory_space<vmem>>
        %dma_wait3A_108 = tpu.memref_squeeze %dma_wait3A_107 : memref<1x80xi32, #tpu.memory_space<vmem>> -> memref<80xi32, #tpu.memory_space<vmem>>
        %dma_wait3A_109 = arith.constant 0 : i32
        %dma_wait3A_110 = arith.constant 0 : i32
        %dma_wait3A_111 = tpu.memref_slice %arg10[%dma_wait3A_109, %dma_wait3A_110] : memref<10000x128xf32, #tpu.memory_space<vmem_shared>> -> memref<10000x128xf32, #tpu.memory_space<vmem_shared>>
        tpu.wait_indirect_dma semaphore(%run_scoped3A_99 : memref<!tpu.dma_semaphore, #tpu.memory_space<semaphore_mem>>) src(%arg8 : memref<80x128xf32, #tpu.memory_space<vmem>>) dst(%dma_wait3A_111 : memref<10000x128xf32, #tpu.memory_space<vmem_shared>>)
        tpu.yield
      }) : () -> ()
      %add3A_84 = arith.constant 2 : i32
      %add3A_85 = arith.addi %mul3A_70, %add3A_84 : i32
      %mul3A_86 = arith.constant 80 : i32
      %mul3A_87 = arith.muli %add3A_85, %mul3A_86 : i32
      %dma_start3A_88 = tpu.memref_slice %arg6[%mul3A_87] : memref<10000xi32, #tpu.memory_space<vmem>> -> memref<80xi32, #tpu.memory_space<vmem>>
      %dma_start3A_89 = arith.constant 0 : i32
      %dma_start3A_90 = arith.constant 0 : i32
      %dma_start3A_91 = tpu.memref_slice %arg2[%dma_start3A_89, %dma_start3A_90] : memref<10000x128xf32, #tpu.memory_space<hbm>> -> memref<10000x128xf32, #tpu.memory_space<hbm>>
      tpu.enqueue_indirect_dma source(%dma_start3A_91 : memref<10000x128xf32, #tpu.memory_space<hbm>>) target(%arg8 : memref<80x128xf32, #tpu.memory_space<vmem>>) offsets(%dma_start3A_88 : memref<80xi32, #tpu.memory_space<vmem>>) semaphore(%arg11 : memref<!tpu.dma_semaphore, #tpu.memory_space<semaphore_mem>>)
      %dma_wait3A_92 = arith.constant 0 : i32
      %dma_wait3A_93 = tpu.memref_slice %arg6[%dma_wait3A_92] : memref<10000xi32, #tpu.memory_space<vmem>> -> memref<80xi32, #tpu.memory_space<vmem>>
      %dma_wait3A_94 = arith.constant 0 : i32
      %dma_wait3A_95 = arith.constant 0 : i32
      %dma_wait3A_96 = tpu.memref_slice %arg2[%dma_wait3A_94, %dma_wait3A_95] : memref<10000x128xf32, #tpu.memory_space<hbm>> -> memref<10000x128xf32, #tpu.memory_space<hbm>>
      tpu.wait_indirect_dma semaphore(%arg12 : memref<!tpu.dma_semaphore, #tpu.memory_space<semaphore_mem>>) src(%dma_wait3A_96 : memref<10000x128xf32, #tpu.memory_space<hbm>>) dst(%arg9 : memref<80x128xf32, #tpu.memory_space<vmem>>)
      %add3A_97 = arith.constant 1 : i32
      %add3A_98 = arith.addi %mul3A_70, %add3A_97 : i32
      "tpu.region"() ({
        %run_scoped3A_99 = tpu.sem_alloc : memref<!tpu.dma_semaphore, #tpu.memory_space<semaphore_mem>>
        %dma_start3A_100 = arith.constant 0 : i32
        %dma_start3A_101 = tpu.memref_slice %arg7[%add3A_98, %dma_start3A_100] : memref<125x80xi32, #tpu.memory_space<vmem>> -> memref<1x80xi32, #tpu.memory_space<vmem>>
        %dma_start3A_102 = tpu.memref_squeeze %dma_start3A_101 : memref<1x80xi32, #tpu.memory_space<vmem>> -> memref<80xi32, #tpu.memory_space<vmem>>
        %dma_start3A_103 = arith.constant 0 : i32
        %dma_start3A_104 = arith.constant 0 : i32
        %dma_start3A_105 = tpu.memref_slice %arg10[%dma_start3A_103, %dma_start3A_104] : memref<10000x128xf32, #tpu.memory_space<vmem_shared>> -> memref<10000x128xf32, #tpu.memory_space<vmem_shared>>
        tpu.enqueue_indirect_dma source(%arg9 : memref<80x128xf32, #tpu.memory_space<vmem>>) target(%dma_start3A_105 : memref<10000x128xf32, #tpu.memory_space<vmem_shared>>) offsets(%dma_start3A_102 : memref<80xi32, #tpu.memory_space<vmem>>) semaphore(%run_scoped3A_99 : memref<!tpu.dma_semaphore, #tpu.memory_space<semaphore_mem>>) {add = true}
        %dma_wait3A_106 = arith.constant 0 : i32
        %dma_wait3A_107 = tpu.memref_slice %arg7[%add3A_98, %dma_wait3A_106] : memref<125x80xi32, #tpu.memory_space<vmem>> -> memref<1x80xi32, #tpu.memory_space<vmem>>
        %dma_wait3A_108 = tpu.memref_squeeze %dma_wait3A_107 : memref<1x80xi32, #tpu.memory_space<vmem>> -> memref<80xi32, #tpu.memory_space<vmem>>
        %dma_wait3A_109 = arith.constant 0 : i32
        %dma_wait3A_110 = arith.constant 0 : i32
        %dma_wait3A_111 = tpu.memref_slice %arg10[%dma_wait3A_109, %dma_wait3A_110] : memref<10000x128xf32, #tpu.memory_space<vmem_shared>> -> memref<10000x128xf32, #tpu.memory_space<vmem_shared>>
        tpu.wait_indirect_dma semaphore(%run_scoped3A_99 : memref<!tpu.dma_semaphore, #tpu.memory_space<semaphore_mem>>) src(%arg9 : memref<80x128xf32, #tpu.memory_space<vmem>>) dst(%dma_wait3A_111 : memref<10000x128xf32, #tpu.memory_space<vmem_shared>>)
        tpu.yield
      }) : () -> ()
    }
    %scan3A_48 = arith.constant 62 : i32
    %dma_wait3A_49 = arith.constant 0 : i32
    %dma_wait3A_50 = tpu.memref_slice %arg6[%dma_wait3A_49] : memref<10000xi32, #tpu.memory_space<vmem>> -> memref<80xi32, #tpu.memory_space<vmem>>
    %dma_wait3A_51 = arith.constant 0 : i32
    %dma_wait3A_52 = arith.constant 0 : i32
    %dma_wait3A_53 = tpu.memref_slice %arg2[%dma_wait3A_51, %dma_wait3A_52] : memref<10000x128xf32, #tpu.memory_space<hbm>> -> memref<10000x128xf32, #tpu.memory_space<hbm>>
    tpu.wait_indirect_dma semaphore(%arg11 : memref<!tpu.dma_semaphore, #tpu.memory_space<semaphore_mem>>) src(%dma_wait3A_53 : memref<10000x128xf32, #tpu.memory_space<hbm>>) dst(%arg8 : memref<80x128xf32, #tpu.memory_space<vmem>>)
    %run_scoped3A = arith.constant 124 : i32
    "tpu.region"() ({
      %run_scoped3A_64 = tpu.sem_alloc : memref<!tpu.dma_semaphore, #tpu.memory_space<semaphore_mem>>
      %dma_start3A_65 = arith.constant 0 : i32
      %dma_start3A_66 = tpu.memref_slice %arg7[%run_scoped3A, %dma_start3A_65] : memref<125x80xi32, #tpu.memory_space<vmem>> -> memref<1x80xi32, #tpu.memory_space<vmem>>
      %dma_start3A_67 = tpu.memref_squeeze %dma_start3A_66 : memref<1x80xi32, #tpu.memory_space<vmem>> -> memref<80xi32, #tpu.memory_space<vmem>>
      %dma_start3A_68 = arith.constant 0 : i32
      %dma_start3A_69 = arith.constant 0 : i32
      %dma_start3A_70 = tpu.memref_slice %arg10[%dma_start3A_68, %dma_start3A_69] : memref<10000x128xf32, #tpu.memory_space<vmem_shared>> -> memref<10000x128xf32, #tpu.memory_space<vmem_shared>>
      tpu.enqueue_indirect_dma source(%arg8 : memref<80x128xf32, #tpu.memory_space<vmem>>) target(%dma_start3A_70 : memref<10000x128xf32, #tpu.memory_space<vmem_shared>>) offsets(%dma_start3A_67 : memref<80xi32, #tpu.memory_space<vmem>>) semaphore(%run_scoped3A_64 : memref<!tpu.dma_semaphore, #tpu.memory_space<semaphore_mem>>) {add = true}
      %dma_wait3A_71 = arith.constant 0 : i32
      %dma_wait3A_72 = tpu.memref_slice %arg7[%run_scoped3A, %dma_wait3A_71] : memref<125x80xi32, #tpu.memory_space<vmem>> -> memref<1x80xi32, #tpu.memory_space<vmem>>
      %dma_wait3A_73 = tpu.memref_squeeze %dma_wait3A_72 : memref<1x80xi32, #tpu.memory_space<vmem>> -> memref<80xi32, #tpu.memory_space<vmem>>
      %dma_wait3A_74 = arith.constant 0 : i32
      %dma_wait3A_75 = arith.constant 0 : i32
      %dma_wait3A_76 = tpu.memref_slice %arg10[%dma_wait3A_74, %dma_wait3A_75] : memref<10000x128xf32, #tpu.memory_space<vmem_shared>> -> memref<10000x128xf32, #tpu.memory_space<vmem_shared>>
      tpu.wait_indirect_dma semaphore(%run_scoped3A_64 : memref<!tpu.dma_semaphore, #tpu.memory_space<semaphore_mem>>) src(%arg8 : memref<80x128xf32, #tpu.memory_space<vmem>>) dst(%dma_wait3A_76 : memref<10000x128xf32, #tpu.memory_space<vmem_shared>>)
      tpu.yield
    }) : () -> ()
    %barrier3A_54 = arith.constant 0 : index
    tpu.barrier barrier_id(%barrier3A_54)
    %mul3A_55 = arith.constant 624 : i32
    %mul3A_56 = arith.muli %arg1, %mul3A_55 : i32
    %mul3A_57 = arith.constant 624 : i32
    %mul3A_58 = arith.muli %arg1, %mul3A_57 : i32
    "tpu.region"() ({
      %run_scoped3A_64 = tpu.sem_alloc : memref<!tpu.dma_semaphore, #tpu.memory_space<semaphore_mem>>
      %dma_start3A_65 = arith.constant 0 : i32
      %dma_start3A_66 = tpu.memref_slice %arg5[%arg0, %mul3A_58, %dma_start3A_65] : memref<2x10000x128xf32, #tpu.memory_space<hbm>> -> memref<1x624x128xf32, #tpu.memory_space<hbm>>
      %dma_start3A_67 = tpu.memref_squeeze %dma_start3A_66 : memref<1x624x128xf32, #tpu.memory_space<hbm>> -> memref<624x128xf32, #tpu.memory_space<hbm>>
      %dma_start3A_68 = arith.constant 0 : i32
      %dma_start3A_69 = tpu.memref_slice %arg10[%mul3A_56, %dma_start3A_68] : memref<10000x128xf32, #tpu.memory_space<vmem_shared>> -> memref<624x128xf32, #tpu.memory_space<vmem_shared>>
      tpu.enqueue_dma source(%dma_start3A_69 : memref<624x128xf32, #tpu.memory_space<vmem_shared>>) target(%dma_start3A_67 : memref<624x128xf32, #tpu.memory_space<hbm>>) target_semaphore(%run_scoped3A_64 : memref<!tpu.dma_semaphore, #tpu.memory_space<semaphore_mem>>)
      %dma_wait3A_70 = arith.constant 0 : i32
      %dma_wait3A_71 = tpu.memref_slice %arg5[%arg0, %mul3A_58, %dma_wait3A_70] : memref<2x10000x128xf32, #tpu.memory_space<hbm>> -> memref<1x624x128xf32, #tpu.memory_space<hbm>>
      %dma_wait3A_72 = tpu.memref_squeeze %dma_wait3A_71 : memref<1x624x128xf32, #tpu.memory_space<hbm>> -> memref<624x128xf32, #tpu.memory_space<hbm>>
      %dma_wait3A_73 = arith.constant 0 : i32
      %dma_wait3A_74 = tpu.memref_slice %arg10[%mul3A_56, %dma_wait3A_73] : memref<10000x128xf32, #tpu.memory_space<vmem_shared>> -> memref<624x128xf32, #tpu.memory_space<vmem_shared>>
      tpu.wait_dma2 semaphore(%run_scoped3A_64 : memref<!tpu.dma_semaphore, #tpu.memory_space<semaphore_mem>>) src(%dma_wait3A_74 : memref<624x128xf32, #tpu.memory_space<vmem_shared>>) dst(%dma_wait3A_72 : memref<624x128xf32, #tpu.memory_space<hbm>>)
      tpu.yield
    }) : () -> ()
    %eq3A_59 = arith.constant 15 : i32
    %eq3A_60 = arith.cmpi eq, %arg1, %eq3A_59 : i32
    %convert_element_type3A_61 = arith.extui %eq3A_60 : i1 to i32
    %cond3A_62 = arith.constant 0 : i32
    %cond3A_63 = arith.cmpi ne, %convert_element_type3A_61, %cond3A_62 : i32
    scf.if %cond3A_63 {
      "tpu.region"() ({
        %run_scoped3A_64 = tpu.sem_alloc : memref<!tpu.dma_semaphore, #tpu.memory_space<semaphore_mem>>
        %dma_start3A_65 = arith.constant 9984 : i32
        %dma_start3A_66 = arith.constant 0 : i32
        %dma_start3A_67 = tpu.memref_slice %arg5[%arg0, %dma_start3A_65, %dma_start3A_66] : memref<2x10000x128xf32, #tpu.memory_space<hbm>> -> memref<1x16x128xf32, #tpu.memory_space<hbm>>
        %dma_start3A_68 = tpu.memref_squeeze %dma_start3A_67 : memref<1x16x128xf32, #tpu.memory_space<hbm>> -> memref<16x128xf32, #tpu.memory_space<hbm>>
        %dma_start3A_69 = arith.constant 9984 : i32
        %dma_start3A_70 = arith.constant 0 : i32
        %dma_start3A_71 = tpu.memref_slice %arg10[%dma_start3A_69, %dma_start3A_70] : memref<10000x128xf32, #tpu.memory_space<vmem_shared>> -> memref<16x128xf32, #tpu.memory_space<vmem_shared>>
        tpu.enqueue_dma source(%dma_start3A_71 : memref<16x128xf32, #tpu.memory_space<vmem_shared>>) target(%dma_start3A_68 : memref<16x128xf32, #tpu.memory_space<hbm>>) target_semaphore(%run_scoped3A_64 : memref<!tpu.dma_semaphore, #tpu.memory_space<semaphore_mem>>)
        %dma_wait3A_72 = arith.constant 9984 : i32
        %dma_wait3A_73 = arith.constant 0 : i32
        %dma_wait3A_74 = tpu.memref_slice %arg5[%arg0, %dma_wait3A_72, %dma_wait3A_73] : memref<2x10000x128xf32, #tpu.memory_space<hbm>> -> memref<1x16x128xf32, #tpu.memory_space<hbm>>
        %dma_wait3A_75 = tpu.memref_squeeze %dma_wait3A_74 : memref<1x16x128xf32, #tpu.memory_space<hbm>> -> memref<16x128xf32, #tpu.memory_space<hbm>>
        %dma_wait3A_76 = arith.constant 9984 : i32
        %dma_wait3A_77 = arith.constant 0 : i32
        %dma_wait3A_78 = tpu.memref_slice %arg10[%dma_wait3A_76, %dma_wait3A_77] : memref<10000x128xf32, #tpu.memory_space<vmem_shared>> -> memref<16x128xf32, #tpu.memory_space<vmem_shared>>
        tpu.wait_dma2 semaphore(%run_scoped3A_64 : memref<!tpu.dma_semaphore, #tpu.memory_space<semaphore_mem>>) src(%dma_wait3A_78 : memref<16x128xf32, #tpu.memory_space<vmem_shared>>) dst(%dma_wait3A_75 : memref<16x128xf32, #tpu.memory_space<hbm>>)
        tpu.yield
      }) : () -> ()
    } else {
    }
    return
  }
}

module attributes {stable_mosaic.version = 14 : i64} {
  func.func @_mid_body(%arg0: memref<2x10000x128xf32, #tpu.memory_space<vmem>>, %arg1: memref<10000x64xf32, #tpu.memory_space<vmem>>, %arg2: memref<1x64xf32, #tpu.memory_space<vmem>>, %arg3: memref<64x64xf32, #tpu.memory_space<vmem>>, %arg4: memref<64x64xf32, #tpu.memory_space<vmem>>, %arg5: memref<10000x128xf32, #tpu.memory_space<vmem>>, %arg6: memref<10000x64xf32, #tpu.memory_space<vmem>>, %arg7: memref<10000x1xf32, #tpu.memory_space<vmem>>) attributes {dimension_semantics = [], scalar_prefetch = 0 : i64, scratch_operands = 0 : i64, tpu.core_type = #tpu.core_type<tc>} {
    %get3A = arith.constant 0 : index
    %get3A_0 = arith.constant 0 : index
    %get3A_1 = arith.constant 0 : index
    %get3A_2 = vector.load %arg0[%get3A, %get3A_0, %get3A_1] : memref<2x10000x128xf32, #tpu.memory_space<vmem>>, vector<1x10000x128xf32>
    %get3A_3 = vector.shape_cast %get3A_2 : vector<1x10000x128xf32> to vector<10000x128xf32>
    %get3A_4 = arith.constant 1 : index
    %get3A_5 = arith.constant 0 : index
    %get3A_6 = arith.constant 0 : index
    %get3A_7 = vector.load %arg0[%get3A_4, %get3A_5, %get3A_6] : memref<2x10000x128xf32, #tpu.memory_space<vmem>>, vector<1x10000x128xf32>
    %get3A_8 = vector.shape_cast %get3A_7 : vector<1x10000x128xf32> to vector<10000x128xf32>
    %add3A = arith.addf %get3A_3, %get3A_8 : vector<10000x128xf32>
    %slice3A = vector.extract_strided_slice %add3A {offsets = [0, 64], sizes = [10000, 1], strides = [1, 1]} : vector<10000x128xf32> to vector<10000x1xf32>
    %max3A = arith.constant 1.000000e+00 : f32
    %max3A_9 = vector.broadcast %max3A : f32 to vector<10000x1xf32>
    %max3A_10 = arith.maximumf %slice3A, %max3A_9 : vector<10000x1xf32>
    %slice3A_11 = vector.extract_strided_slice %add3A {offsets = [0, 0], sizes = [10000, 64], strides = [1, 1]} : vector<10000x128xf32> to vector<10000x64xf32>
    %div3A = vector.broadcast %max3A_10 : vector<10000x1xf32> to vector<10000x64xf32>
    %div3A_12 = arith.divf %slice3A_11, %div3A : vector<10000x64xf32>
    %get3A_13 = arith.constant 0 : index
    %get3A_14 = arith.constant 0 : index
    %get3A_15 = vector.load %arg2[%get3A_13, %get3A_14] : memref<1x64xf32, #tpu.memory_space<vmem>>, vector<1x64xf32>
    %add3A_16 = vector.broadcast %get3A_15 : vector<1x64xf32> to vector<10000x64xf32>
    %add3A_17 = arith.addf %div3A_12, %add3A_16 : vector<10000x64xf32>
    %get3A_18 = arith.constant 0 : index
    %get3A_19 = arith.constant 0 : index
    %get3A_20 = vector.load %arg1[%get3A_18, %get3A_19] : memref<10000x64xf32, #tpu.memory_space<vmem>>, vector<10000x64xf32>
    %add3A_21 = arith.addf %add3A_17, %get3A_20 : vector<10000x64xf32>
    %max3A_22 = arith.constant 0.000000e+00 : f32
    %max3A_23 = vector.broadcast %max3A_22 : f32 to vector<10000x64xf32>
    %max3A_24 = arith.maximumf %add3A_21, %max3A_23 : vector<10000x64xf32>
    %get3A_25 = arith.constant 0 : index
    %get3A_26 = arith.constant 0 : index
    %get3A_27 = vector.load %arg3[%get3A_25, %get3A_26] : memref<64x64xf32, #tpu.memory_space<vmem>>, vector<64x64xf32>
    %dot_general3A = arith.constant dense<0.000000e+00> : vector<10000x64xf32>
    %dot_general3A_28 = tpu.matmul %max3A_24, %get3A_27, %dot_general3A {dimension_numbers = #tpu.dot_dimension_numbers<[1], [1], [0], [0], [0, 0, 1, 0], [], []>, transpose_lhs_hint = false} : vector<10000x64xf32>, vector<64x64xf32>, vector<10000x64xf32> -> vector<10000x64xf32>
    %broadcast_in_dim3A = arith.constant 0.000000e+00 : f32
    %broadcast_in_dim3A_29 = vector.broadcast %broadcast_in_dim3A : f32 to vector<10000x64xf32>
    %concatenate3A = tpu.concatenate %dot_general3A_28, %broadcast_in_dim3A_29 in 1 : vector<10000x64xf32>, vector<10000x64xf32> -> vector<10000x128xf32>
    %swap3A = arith.constant 0 : index
    %swap3A_30 = arith.constant 0 : index
    %swap3A_31 = vector.load %arg5[%swap3A, %swap3A_30] : memref<10000x128xf32, #tpu.memory_space<vmem>>, vector<10000x128xf32>
    tpu.vector_store %arg5[%swap3A, %swap3A_30], %concatenate3A {strides = array<i32>} : memref<10000x128xf32, #tpu.memory_space<vmem>>, vector<10000x128xf32>,
    %get3A_32 = arith.constant 0 : index
    %get3A_33 = arith.constant 0 : index
    %get3A_34 = vector.load %arg4[%get3A_32, %get3A_33] : memref<64x64xf32, #tpu.memory_space<vmem>>, vector<64x64xf32>
    %dot_general3A_35 = arith.constant dense<0.000000e+00> : vector<10000x64xf32>
    %dot_general3A_36 = tpu.matmul %max3A_24, %get3A_34, %dot_general3A_35 {dimension_numbers = #tpu.dot_dimension_numbers<[1], [1], [0], [0], [0, 0, 1, 0], [], []>, transpose_lhs_hint = false} : vector<10000x64xf32>, vector<64x64xf32>, vector<10000x64xf32> -> vector<10000x64xf32>
    %swap3A_37 = arith.constant 0 : index
    %swap3A_38 = arith.constant 0 : index
    %swap3A_39 = vector.load %arg6[%swap3A_37, %swap3A_38] : memref<10000x64xf32, #tpu.memory_space<vmem>>, vector<10000x64xf32>
    tpu.vector_store %arg6[%swap3A_37, %swap3A_38], %dot_general3A_36 {strides = array<i32>} : memref<10000x64xf32, #tpu.memory_space<vmem>>, vector<10000x64xf32>,
    %swap3A_40 = arith.constant 0 : index
    %swap3A_41 = arith.constant 0 : index
    %swap3A_42 = vector.load %arg7[%swap3A_40, %swap3A_41] : memref<10000x1xf32, #tpu.memory_space<vmem>>, vector<10000x1xf32>
    tpu.vector_store %arg7[%swap3A_40, %swap3A_41], %max3A_10 {strides = array<i32>} : memref<10000x1xf32, #tpu.memory_space<vmem>>, vector<10000x1xf32>,
    return
  }
}

module attributes {stable_mosaic.version = 14 : i64} {
  func.func @_lin1_body(%arg0: memref<10000x128xf32, #tpu.memory_space<vmem>>, %arg1: memref<64x128xf32, #tpu.memory_space<vmem>>, %arg2: memref<64x128xf32, #tpu.memory_space<vmem>>, %arg3: memref<10000x128xf32, #tpu.memory_space<vmem>>, %arg4: memref<10000x64xf32, #tpu.memory_space<vmem>>) attributes {dimension_semantics = [], scalar_prefetch = 0 : i64, scratch_operands = 0 : i64, tpu.core_type = #tpu.core_type<tc>} {
    %get3A = arith.constant 0 : index
    %get3A_0 = arith.constant 0 : index
    %get3A_1 = vector.load %arg0[%get3A, %get3A_0] : memref<10000x128xf32, #tpu.memory_space<vmem>>, vector<10000x128xf32>
    %get3A_2 = arith.constant 0 : index
    %get3A_3 = arith.constant 0 : index
    %get3A_4 = vector.load %arg1[%get3A_2, %get3A_3] : memref<64x128xf32, #tpu.memory_space<vmem>>, vector<64x128xf32>
    %dot_general3A = arith.constant dense<0.000000e+00> : vector<10000x64xf32>
    %dot_general3A_5 = tpu.matmul %get3A_1, %get3A_4, %dot_general3A {dimension_numbers = #tpu.dot_dimension_numbers<[1], [1], [0], [0], [0, 0, 1, 0], [], []>, transpose_lhs_hint = false} : vector<10000x128xf32>, vector<64x128xf32>, vector<10000x64xf32> -> vector<10000x64xf32>
    %broadcast_in_dim3A = arith.constant 1.000000e+00 : f32
    %broadcast_in_dim3A_6 = vector.broadcast %broadcast_in_dim3A : f32 to vector<10000x1xf32>
    %broadcast_in_dim3A_7 = arith.constant 0.000000e+00 : f32
    %broadcast_in_dim3A_8 = vector.broadcast %broadcast_in_dim3A_7 : f32 to vector<10000x63xf32>
    %concatenate3A = tpu.concatenate %dot_general3A_5, %broadcast_in_dim3A_6, %broadcast_in_dim3A_8 in 1 : vector<10000x64xf32>, vector<10000x1xf32>, vector<10000x63xf32> -> vector<10000x128xf32>
    %swap3A = arith.constant 0 : index
    %swap3A_9 = arith.constant 0 : index
    %swap3A_10 = vector.load %arg3[%swap3A, %swap3A_9] : memref<10000x128xf32, #tpu.memory_space<vmem>>, vector<10000x128xf32>
    tpu.vector_store %arg3[%swap3A, %swap3A_9], %concatenate3A {strides = array<i32>} : memref<10000x128xf32, #tpu.memory_space<vmem>>, vector<10000x128xf32>,
    %get3A_11 = arith.constant 0 : index
    %get3A_12 = arith.constant 0 : index
    %get3A_13 = vector.load %arg2[%get3A_11, %get3A_12] : memref<64x128xf32, #tpu.memory_space<vmem>>, vector<64x128xf32>
    %dot_general3A_14 = arith.constant dense<0.000000e+00> : vector<10000x64xf32>
    %dot_general3A_15 = tpu.matmul %get3A_1, %get3A_13, %dot_general3A_14 {dimension_numbers = #tpu.dot_dimension_numbers<[1], [1], [0], [0], [0, 0, 1, 0], [], []>, transpose_lhs_hint = false} : vector<10000x128xf32>, vector<64x128xf32>, vector<10000x64xf32> -> vector<10000x64xf32>
    %swap3A_16 = arith.constant 0 : index
    %swap3A_17 = arith.constant 0 : index
    %swap3A_18 = vector.load %arg4[%swap3A_16, %swap3A_17] : memref<10000x64xf32, #tpu.memory_space<vmem>>, vector<10000x64xf32>
    tpu.vector_store %arg4[%swap3A_16, %swap3A_17], %dot_general3A_15 {strides = array<i32>} : memref<10000x64xf32, #tpu.memory_space<vmem>>, vector<10000x64xf32>,
    return
  }
}

module attributes {stable_mosaic.version = 14 : i64} {
  func.func @_out_body(%arg0: memref<2x10000x128xf32, #tpu.memory_space<vmem>>, %arg1: memref<10000x64xf32, #tpu.memory_space<vmem>>, %arg2: memref<1x64xf32, #tpu.memory_space<vmem>>, %arg3: memref<10000x1xf32, #tpu.memory_space<vmem>>, %arg4: memref<112x64xf32, #tpu.memory_space<vmem>>, %arg5: memref<1x112xf32, #tpu.memory_space<vmem>>, %arg6: memref<10000x112xf32, #tpu.memory_space<vmem>>) attributes {dimension_semantics = [], scalar_prefetch = 0 : i64, scratch_operands = 0 : i64, tpu.core_type = #tpu.core_type<tc>} {
    %get3A = arith.constant 0 : index
    %get3A_0 = arith.constant 0 : index
    %get3A_1 = arith.constant 0 : index
    %get3A_2 = vector.load %arg0[%get3A, %get3A_0, %get3A_1] : memref<2x10000x128xf32, #tpu.memory_space<vmem>>, vector<1x10000x128xf32>
    %get3A_3 = vector.shape_cast %get3A_2 : vector<1x10000x128xf32> to vector<10000x128xf32>
    %slice3A = vector.extract_strided_slice %get3A_3 {offsets = [0, 0], sizes = [10000, 64], strides = [1, 1]} : vector<10000x128xf32> to vector<10000x64xf32>
    %get3A_4 = arith.constant 1 : index
    %get3A_5 = arith.constant 0 : index
    %get3A_6 = arith.constant 0 : index
    %get3A_7 = vector.load %arg0[%get3A_4, %get3A_5, %get3A_6] : memref<2x10000x128xf32, #tpu.memory_space<vmem>>, vector<1x10000x128xf32>
    %get3A_8 = vector.shape_cast %get3A_7 : vector<1x10000x128xf32> to vector<10000x128xf32>
    %slice3A_9 = vector.extract_strided_slice %get3A_8 {offsets = [0, 0], sizes = [10000, 64], strides = [1, 1]} : vector<10000x128xf32> to vector<10000x64xf32>
    %add3A = arith.addf %slice3A, %slice3A_9 : vector<10000x64xf32>
    %get3A_10 = arith.constant 0 : index
    %get3A_11 = arith.constant 0 : index
    %get3A_12 = vector.load %arg3[%get3A_10, %get3A_11] : memref<10000x1xf32, #tpu.memory_space<vmem>>, vector<10000x1xf32>
    %div3A = vector.broadcast %get3A_12 : vector<10000x1xf32> to vector<10000x64xf32>
    %div3A_13 = arith.divf %add3A, %div3A : vector<10000x64xf32>
    %get3A_14 = arith.constant 0 : index
    %get3A_15 = arith.constant 0 : index
    %get3A_16 = vector.load %arg2[%get3A_14, %get3A_15] : memref<1x64xf32, #tpu.memory_space<vmem>>, vector<1x64xf32>
    %add3A_17 = vector.broadcast %get3A_16 : vector<1x64xf32> to vector<10000x64xf32>
    %add3A_18 = arith.addf %div3A_13, %add3A_17 : vector<10000x64xf32>
    %get3A_19 = arith.constant 0 : index
    %get3A_20 = arith.constant 0 : index
    %get3A_21 = vector.load %arg1[%get3A_19, %get3A_20] : memref<10000x64xf32, #tpu.memory_space<vmem>>, vector<10000x64xf32>
    %add3A_22 = arith.addf %add3A_18, %get3A_21 : vector<10000x64xf32>
    %max3A = arith.constant 0.000000e+00 : f32
    %max3A_23 = vector.broadcast %max3A : f32 to vector<10000x64xf32>
    %max3A_24 = arith.maximumf %add3A_22, %max3A_23 : vector<10000x64xf32>
    %get3A_25 = arith.constant 0 : index
    %get3A_26 = arith.constant 0 : index
    %get3A_27 = vector.load %arg4[%get3A_25, %get3A_26] : memref<112x64xf32, #tpu.memory_space<vmem>>, vector<112x64xf32>
    %dot_general3A = arith.constant dense<0.000000e+00> : vector<10000x112xf32>
    %dot_general3A_28 = tpu.matmul %max3A_24, %get3A_27, %dot_general3A {dimension_numbers = #tpu.dot_dimension_numbers<[1], [1], [0], [0], [0, 0, 1, 0], [], []>, transpose_lhs_hint = false} : vector<10000x64xf32>, vector<112x64xf32>, vector<10000x112xf32> -> vector<10000x112xf32>
    %get3A_29 = arith.constant 0 : index
    %get3A_30 = arith.constant 0 : index
    %get3A_31 = vector.load %arg5[%get3A_29, %get3A_30] : memref<1x112xf32, #tpu.memory_space<vmem>>, vector<1x112xf32>
    %add3A_32 = vector.broadcast %get3A_31 : vector<1x112xf32> to vector<10000x112xf32>
    %add3A_33 = arith.addf %dot_general3A_28, %add3A_32 : vector<10000x112xf32>
    %swap3A = arith.constant 0 : index
    %swap3A_34 = arith.constant 0 : index
    %swap3A_35 = vector.load %arg6[%swap3A, %swap3A_34] : memref<10000x112xf32, #tpu.memory_space<vmem>>, vector<10000x112xf32>
    tpu.vector_store %arg6[%swap3A, %swap3A_34], %add3A_33 {strides = array<i32>} : memref<10000x112xf32, #tpu.memory_space<vmem>>, vector<10000x112xf32>,
    return
  }
}

</mosaic_0001>

<sc_bundles>
// kernel: kernel.10.cloned.1.call-start
scs
__scs_entry_jumppad:
0x0: {  	(pc) =	sbr.rel $0x88, $3  }
0x1: {  	(tag) =	ssettag $0x0;
	lr =	simm.s32 $0x1  }
0x2: {  	[smem:$0x3F97] =	sst lr;
	_ =	strace $0xD0000000  }
0x3: {  	_ = 	snop  }
0x4: {  	_ = 	snop  }
0x5: {  	_ = 	snop  }
0x6: {  	_ = 	snop  }
0x7: {  	_ = 	snop  }
__scs_overlays_trampoline_lowered:
0x8: {  	[smem:$0x3FA6] =	sst s0  }
0x9: {  	[smem:$0x3FA7] =	sst s1  }
0xa: {  	[smem:$0x3FA8] =	sst s2  }
0xb: {  	[smem:$0x3FA9] =	sst s3  }
0xc: {  	[smem:$0x3FAA] =	sst s4  }
0xd: {  	[smem:$0x3FAB] =	sst s5  }
0xe: {  	[smem:$0x3FAC] =	sst s6  }
0xf: {  	[smem:$0x3FAD] =	sst s7  }
0x10: {  	[smem:$0x3FAE] =	sst s8  }
0x11: {  	[smem:$0x3FAF] =	sst s9;
	s0 =	simm.s32 @!p0 $0x0  }
0x12: {  	s1 =	sld [smem:$0x3F95];
	s0 =	simm.s32 @p0 $0x1  }
0x13: {  	[smem:$0x3FB0] =	sst s0;
	s0 =	simm.s32 @!p1 $0x0  }
0x14: {  	s2 =	sld [smem:$0x3F94];
	s0 =	simm.s32 @p1 $0x1  }
0x15: {  	[smem:$0x3FB1] =	sst s0;
	s0 =	simm.s32 @!p2 $0x0  }
0x16: {  	s3 =	sld [smem:$0x3FDB];
	s0 =	simm.s32 @p2 $0x1  }
0x17: {  	s4 =	simm.s32 $0x1BF5;
	[smem:$0x3FB3] =	sst s0  }
0x18: {  	s0 =	sld [smem:$0x3F96];
	_ =	swait.ge [sflag:s4], $0x0  }
0x19: {  	s7 =	sld [smem:$0x3F97]  }
0x1a: {  	s8 =	sadd.s32 $0xFFFFE003, lr  }
0x1b: {  	s9 =	sadd.s32 $0xFFFFFEF7, lr;
	s5 =	simm.s32 $0xFFFFFFFF;
	p2 =	slt.u32 s8, $0xFFFFF086  }
0x1c: {  	p1 =	slt.u32 s9, $0xF7A;
	s5 =	simm.s32 @!p2 $0x0  }
0x1d: {  	s5 =	simm.s32 @p1 $0x1;
	p0 =	seq.s32 s7, s2  }
0x1e: {  	s7 =	smul.u32 @!p0 $0xF7A, s2;
	p2 =	seq.s32 @!p0 s5, $0x0  }
0x1f: {  	s9 =	smul.u32 $0xF7A, s1;
	s8 =	simm.s32 @!p0 $0x1BF5;
	p2 =	por !p2, p0  }
0x20: {  	[sflag:s8] =	ssyncset.s32 @!p0 $0xFFFFF086;
	s6 =	sadd.s32 @!p0 s3, s7;
	s7 =	simm.s32 @!p0 $0x108  }
0x21: {  	s3 =	sadd.s32 s3, s9;
	s6 =	sadd.s32 @!p0 $0x88, s6;
	s7 =	simm.s32 @p2 $0x1082  }
0x22: {  	[simem:s7], [sflag:s8] =	dma.local @!p0 [hbm:s6], $0xF7A  }
0x23: {  	s9 =	sor.u32 $0xD0000000, s2;
	s6 =	simm.s32 $0x108;
	_ =	swait.ge @!p0 [sflag:s8], $0x0  }
0x24: {  	s3 =	sadd.s32 $0x88, s3;
	s6 =	simm.s32 @!p1 $0x1082;
	[sflag:s4] =	ssyncset.s32 $0xFFFFF086  }
0x25: {  	[simem:s6], [sflag:s4] =	dma.local [hbm:s3], $0xF7A  }
0x26: {  	[smem:$0x3F97] =	sst s1;
	(tag) =	ssettag s2;
	_ =	strace s9  }
0x27: {  	s1 =	sld [smem:$0x3FA7]  }
0x28: {  	s2 =	sld [smem:$0x3FA8]  }
0x29: {  	s4 =	sld [smem:$0x3FAA]  }
0x2a: {  	p0 =	seq.s32 s5, $0x0;
	s5 =	sld [smem:$0x3FAB]  }
0x2b: {  	s6 =	sld [smem:$0x3FAC]  }
0x2c: {  	s7 =	sld [smem:$0x3FAD]  }
0x2d: {  	s3 =	simm.s32 $0x108;
	s8 =	sld [smem:$0x3FAE]  }
0x2e: {  	s3 =	simm.s32 @!p0 $0x1082;
	s9 =	sld [smem:$0x3FAF]  }
0x2f: {  	lr =	sadd.s32 s0, s3;
	s0 =	sld [smem:$0x3FA6]  }
0x30: {  	s3 =	sld [smem:$0x3FA9]  }
0x31: {  	[smem:$0x3FB2] =	sst s10  }
0x32: {  	s10 =	sld [smem:$0x3FB0];
	_ =	sdelay $0x3  }
0x33: {  	p0 =	seq.s32 s10, $0x1;
	s10 =	sld [smem:$0x3FB2];
	_ =	sdelay $0x3  }
0x34: {  	[smem:$0x3FB2] =	sst s10  }
0x35: {  	s10 =	sld [smem:$0x3FB1];
	_ =	sdelay $0x3  }
0x36: {  	p1 =	seq.s32 s10, $0x1;
	s10 =	sld [smem:$0x3FB2];
	_ =	sdelay $0x3  }
0x37: {  	[smem:$0x3FB2] =	sst s10  }
0x38: {  	s10 =	sld [smem:$0x3FB3]  }
0x39: {  	_ = 	snop;
	(pc) =	sbr.ind lr, $3  }
0x3a: {  	_ = 	snop  }
0x3b: {  	_ = 	snop  }
0x3c: {  	p2 =	seq.s32 s10, $0x1;
	s10 =	sld [smem:$0x3FB2]  }
0x3d: {  	_ =	shalt  }
0x3e: {  	_ =	shalt  }
0x3f: {  	_ =	shalt  }
0x40: {  	_ =	shalt  }
0x41: {  	_ =	shalt  }
0x42: {  	_ =	shalt  }
0x43: {  	_ =	shalt  }
0x44: {  	_ =	shalt  }
0x45: {  	_ =	shalt  }
0x46: {  	_ =	shalt  }
0x47: {  	_ =	shalt  }
0x48: {  	_ =	shalt  }
0x49: {  	_ =	shalt  }
0x4a: {  	_ =	shalt  }
0x4b: {  	_ =	shalt  }
0x4c: {  	_ =	shalt  }
0x4d: {  	_ =	shalt  }
0x4e: {  	_ =	shalt  }
0x4f: {  	_ =	shalt  }
0x50: {  	_ =	shalt  }
0x51: {  	_ =	shalt  }
0x52: {  	_ =	shalt  }
0x53: {  	_ =	shalt  }
0x54: {  	_ =	shalt  }
0x55: {  	_ =	shalt  }
0x56: {  	_ =	shalt  }
0x57: {  	_ =	shalt  }
0x58: {  	_ =	shalt  }
0x59: {  	_ =	shalt  }
0x5a: {  	_ =	shalt  }
0x5b: {  	_ =	shalt  }
0x5c: {  	_ =	shalt  }
0x5d: {  	_ =	shalt  }
0x5e: {  	_ =	shalt  }
0x5f: {  	_ =	shalt  }
0x60: {  	_ =	shalt  }
0x61: {  	_ =	shalt  }
0x62: {  	_ =	shalt  }
0x63: {  	_ =	shalt  }
0x64: {  	_ =	shalt  }
0x65: {  	_ =	shalt  }
0x66: {  	_ =	shalt  }
0x67: {  	_ =	shalt  }
0x68: {  	_ =	shalt  }
0x69: {  	_ =	shalt  }
0x6a: {  	_ =	shalt  }
0x6b: {  	_ =	shalt  }
0x6c: {  	_ =	shalt  }
0x6d: {  	_ =	shalt  }
0x6e: {  	_ =	shalt  }
0x6f: {  	_ =	shalt  }
0x70: {  	_ =	shalt  }
0x71: {  	_ =	shalt  }
0x72: {  	_ =	shalt  }
0x73: {  	_ =	shalt  }
0x74: {  	_ =	shalt  }
0x75: {  	_ =	shalt  }
0x76: {  	_ =	shalt  }
0x77: {  	_ =	shalt  }
0x78: {  	_ =	shalt  }
0x79: {  	_ =	shalt  }
0x7a: {  	_ =	shalt  }
0x7b: {  	_ =	shalt  }
0x7c: {  	_ =	shalt  }
0x7d: {  	_ =	shalt  }
0x7e: {  	_ =	shalt  }
0x7f: {  	_ =	shalt  }
0x80: {  	_ =	shalt  }
0x81: {  	_ =	shalt  }
0x82: {  	_ =	shalt  }
0x83: {  	_ =	shalt  }
0x84: {  	_ =	shalt  }
0x85: {  	_ =	shalt  }
0x86: {  	_ =	shalt  }
0x87: {  	_ =	shalt  }
.Lfunc_end0:
.L_simem_size_0:
called_computation.1_lowered:
.L_overlay_start_0:
0x88: {  	s2 =	sld [smem:$0x3FD9]  }
0x89: {  	s3 =	sld [smem:$0x3FFE];
	_ =	sdelay $0x1  }
0x8a: {  	s1 =	srdreg.scid  }
0x8b: {  	s0 =	sand.u32 $0x1, s1  }
0x8c: {  	s17 =	sshll.u32 s0, $0xA;
	s2 =	sadd.s32 s3, s2  }
0x8d: {  	s2 =	sadd.s32 s2, s17  }
0x8e: {  	[smem:$0x3FBE] =	sst s2  }
0x8f: {  	_ = 	snop  }
0x90: {  	s2 =	sld [smem:$0x3FD0];
	(tm) =	ssettm $0x1  }
0x91: {  	s18 =	sld [smem:$0x3FFB];
	_ =	sdelay $0x3  }
0x92: {  	_ =	strace s18  }
0x93: {  	s3 =	sld [smem:$0x3FFC];
	_ =	sdelay $0x3  }
0x94: {  	_ =	strace s3  }
0x95: {  	s3 =	sld [smem:$0x3FFD];
	_ =	sdelay $0x3  }
0x96: {  	_ =	strace s3  }
0x97: {  	_ =	strace $0x8FFFFFFF  }
0x98: {  	s19 =	sld [smem:$0x3FDB];
	_ =	sdelay $0x1  }
0x99: {  	s4 =	simm.s32 $_scs_section_size  }
0x9a: {  	s5 =	simm.s32 $_size__tile_overlayer_lowered;
	s6 =	simm.s32 $_tile_overlayer_lowered  }
0x9b: {  	s22 =	simm.s32 $0x1BFF;
	s21 =	sshll.u32 s6, $0x1;
	s3 =	sadd.s32 s4, s19  }
0x9c: {  	s7 =	simm.s32 $0x0;
	s20 =	sshll.u32 s5, $0x1;
	s5 =	sadd.s32 s21, s3  }
0x9d: {  	[timem:s7], [sflag:s22] =	dma.local [hbm:s5], s20  }
0x9e: {  	_ =	swait.ge [sflag:s22], s20  }
0x9f: {  	s4 =	ssub.s32 $0x0, s20;
	[sflag:s22] =	ssyncset.done $0x0  }
0xa0: {  	[sflag:s22] =	ssyncadd.s32 s4;
	_ =	sdelay $0x1  }
0xa1: {  	s23 =	simm.s32 $0x1B8B  }
0xa2: {  	_ =	swait.ge [sflag:s23], $0x1  }
0xa3: {  	[sflag:s23] =	ssyncset.done $0x0  }
0xa4: {  	s25 =	simm.s32 $0x1B8E;
	s24 =	sld [smem:$0x3FFE];
	[sflag:s23] =	ssyncadd.s32 $0xFFFFFFFF  }
0xa5: {  	s26 =	simm.s32 $execute0_lowered;
	[smem:$0x3FD2] =	sst s25  }
0xa6: {  	s5 =	sshll.u32 s26, $0x1;
	_ =	strace $0x80000049;
	[dreg:$0x1] =	wrdreg $0xFFFFFFFF  }
0xa7: {  	s28 =	simm.s32 $_size_execute0_lowered;
	s3 =	sadd.s32 s3, s5;
	[dreg:$0x0] =	wrdreg $0x0  }
0xa8: {  	s5 =	sshll.u32 s28, $0x1;
	[dreg:$0x2] =	wrdreg s3  }
0xa9: {  	[dreg:$0x3] =	wrdreg s5  }
0xaa: {  	[dreg:$0x4] =	wrdreg $0xC0  }
0xab: {  	_ =	task [dreg:s7], $0x5FFFF  }
0xac: {  	[dreg:$0x1] =	wrdreg $0xFFFFFFFF  }
0xad: {  	[dreg:$0x0] =	wrdreg $0x60  }
0xae: {  	[dreg:$0x2] =	wrdreg s24  }
0xaf: {  	[dreg:$0x3] =	wrdreg s2  }
0xb0: {  	[dreg:$0x4] =	wrdreg $0xB7800  }
0xb1: {  	[dreg:$0x5] =	wrdreg $0x9  }
0xb2: {  	_ =	task.clear_ibuf [dreg:s7], $0x6FFFF;
	_ =	strace $0x90000049  }
0xb3: {  	s29 =	simm.s32 $0x9;
	_ =	strace $0x8000004B  }
0xb4: {  	_ =	swait.ge [sflag:s29], $0x1  }
0xb5: {  	[sflag:s29] =	ssyncadd.s32 $0xFFFFFFFF  }
0xb6: {  	_ =	strace $0x9000004B  }
0xb7: {  	_ =	sfence  }
0xb8: {  	s30 =	sld [smem:$0x0];
	_ =	sdelay $0x2  }
0xb9: {  	s31 =	sshll.u32 s1, $0xD;
	s1 =	sshrl.u32 s1, $0x2  }
0xba: {  	s3 =	sand.u32 $0x4000, s31;
	s1 =	sadd.s32 s1, s30  }
0xbb: {  	s0 =	sor.u32 s3, s0;
	s1 =	sshll.u32 s1, $0x11  }
0xbc: {  	s0 =	sor.u32 s1, s0  }
0xbd: {  	s0 =	sadd.s32 $0x8F2B, s0  }
0xbe: {  	[sflag:s0] =	ssyncadd.remote.s32 $0x1  }
0xbf: {  	_ =	sfence.sel $0xFFFF  }
0xc0: {  	[dreg:$0x0] =	wrdreg $0xFFFFFFFF;
	(pc) =	sbr.abs _section_cstart, $3  }
0xc1: {  	[dreg:$0x1] =	wrdreg $0xFFFFFFFF  }
0xc2: {  	_ =	task.clear_ibuf [dreg:s7], $0x2FFFF;
	_ =	strace $0x9FFFFFFF  }
0xc3: {  	(tm) =	ssettm $0x7FFFFFFF  }
tec
execute0_lowered:
.L_overlay_start_1:
0x0: {  	(tag) =	ssettag $0x1  }
0x1: {  	s5 =	rddreg [dreg:$0x0]  }
0x2: {  	s6 =	rddreg [dreg:$0x1]  }
0x3: {  	s2 =	rddreg [dreg:$0x2]  }
0x4: {  	s4 =	srdreg.scid;
	s0 =	stileid.u32;
	s3 =	simm.s32 $0x0  }
0x5: {  	s19 =	stileid.u32;
	s20 =	simm.s32 $0x1;
	s21 =	simm.s32 $0x2  }
0x6: {  	s22 =	simm.s32 $0x50;
	s23 =	simm.s32 $0x6780;
	s28 =	simm.s32 $0x0  }
0x7: {  	s7 =	sand.u32 $0x1, s4;
	s24 =	sshll.u32 s0, $0x1;
	[smem:$0x7FF] =	sst s3  }
0x8: {  	s4 =	sadd.s32 $0xB800, s5;
	s11 =	smul.u32 $0x4E000, s0;
	s14 =	sadd.s32 $0x32A00, s5  }
0x9: {  	s25 =	smul.u32 $0x13800, s0;
	p0 =	sne.s32 s0, $0xF;
	s8 =	sor.u32 s7, s24  }
0xa: {  	_ =	strace $0x8000004A;
	s10 =	ssub.s32 $0x2, s7;
	s13 =	smul.u32 $0x138800, s7  }
0xb: {  	s24 =	simm.s32 $0x8F80;
	s9 =	smul.u32 $0x4E2, s8;
	s12 =	sshrl.u32 s10, $0x1  }
0xc: {  	s26 =	sshll.u32 s8, $0xB;
	s29 =	sshrl.u32 s11, $0x2;
	s12 =	ssub.s32 s10, s12  }
0xd: {  	s6 =	sadd.s32 s6, s26;
	s7 =	sadd.s32 s29, s2;
	s30 =	sadd.s32 s25, s13  }
0xe: {  	s31 =	sshrl.u32 s13, $0x3;
	s25 =	simm.s32 $0x3;
	s26 =	simm.s32 $0x6580  }
0xf: {  	s9 =	sadd.s32 s9, s5;
	s8 =	sadd.s32 $0x11800, s7;
	s10 =	sshrl.u32 s30, $0x3  }
0x10: {  	s11 =	sadd.s32 s14, s31;
	s12 =	smax.u32 s12, $0x1;
	s13 =	sadd.s32 $0x2800, s7  }
0x11: {  	s15 =	sadd.s32 $0x7800, s7;
	s16 =	sadd.s32 $0xA000, s7;
	s17 =	sadd.s32 $0xC800, s7  }
0x12: {  	s18 =	sadd.s32 $0xF000, s7;
	s5 =	sadd.s32 $0x1A00, s9;
	s9 =	sadd.s32 $0x138000, s2  }
0x13: {  	v0 =	vimm.f32 $0.0e+00;
	s10 =	sadd.s32 s14, s10;
	s11 =	sadd.s32 $0x27000, s11;
	s14 =	sadd.s32 $0x5000, s7  }
.LBB2_1:
0x14: {  	[tilespmem:s3], [sflag:$0x1] =	stream.linear.gather [hbm4b:s5+s3], $0x2710, $0x38;
	[tilespmem:$0x1F000] =	vst v63  }
0x15: {  	s0 =	simm.s32 $0x2780;
	s29 =	simm.s32 $0x70;
	s30 =	simm.s32 $0x3C0  }
0x16: {  	[tilespmem:s0], [sflag:$0x2] =	stream.linear.gather [hbm4b:s6+s3], $0x3E80, $0x38;
	[tilespmem:$0x1F000] =	vst v63  }
.LBB2_2:
0x17: {  	p1 =	sne.s32 s30, $0x9FC0;
	[tilespmem:s29+$0x8F80] =	vst v0  }
0x18: {  	[tilespmem:s29+$0x8F10] =	vst v0  }
0x19: {  	[tilespmem:s29+$0x8F20] =	vst v0  }
.Ltmp0:
0x1a: {  	[tilespmem:s29+$0x8F30] =	vst v0;
	(pc) =	sbr.rel @p1 .LBB2_2-.Ltmp0, $4  }
0x1b: {  	[tilespmem:s29+$0x8F40] =	vst v0  }
0x1c: {  	[tilespmem:s29+$0x8F50] =	vst v0  }
0x1d: {  	[tilespmem:s29+$0x8F60] =	vst v0  }
0x1e: {  	[tilespmem:s29+$0x8F70] =	vst v0;
	s29 =	sshra.s32 s30, $0x2;
	s30 =	sadd.s32 $0x200, s30  }
0x1f: {  	[tilespmem:s29+$0x8F80] =	vst v0  }
0x20: {  	[tilespmem:s29+$0x8F10] =	vst v0  }
0x21: {  	[tilespmem:s29+$0x8F20] =	vst v0  }
0x22: {  	[tilespmem:s29+$0x8F30] =	vst v0  }
0x23: {  	[tilespmem:s29+$0x8F40] =	vst v0  }
0x24: {  	[tilespmem:s29+$0x8F50] =	vst v0  }
0x25: {  	[tilespmem:s29+$0x8F60] =	vst v0  }
0x26: {  	[tilespmem:s29+$0x8F70] =	vst v0  }
0x27: {  	_ =	swait.ge [sflag:s20], $0x2710  }
0x28: {  	[sflag:s20] =	ssyncset.done $0x0  }
0x29: {  	[sflag:s20] =	ssyncadd.s32 $0xFFFFD8F0  }
0x2a: {  	_ =	swait.ge [sflag:s21], $0x3E80  }
0x2b: {  	[sflag:s21] =	ssyncset.done $0x0  }
0x2c: {  	[sflag:s21] =	ssyncadd.s32 $0xFFFFC180  }
0x2d: {  	[tilespmem:s23], [sflag:$0x1] =	stream.indirect.gather [hbm4b:s4+s22], $0x80, s3, s22, $0xb8;
	[tilespmem:$0x1F000] =	vst v63  }
0x2e: {  	_ = 	snop  }
0x2f: {  	[spmem:s7] =	stream.linear.scatter [tilespmem:s24], [sflag:$0x3], $0x2800, $0x38;
	[tilespmem:$0x1F000] =	vst v63  }
0x30: {  	_ =	swait.ge [sflag:s25], $0x2800  }
0x31: {  	[sflag:s25] =	ssyncset.done $0x0  }
0x32: {  	[sflag:s25] =	ssyncadd.s32 $0xFFFFD800  }
0x33: {  	[spmem:s13] =	stream.linear.scatter [tilespmem:s24], [sflag:$0x3], $0x2800, $0x38;
	[tilespmem:$0x1F000] =	vst v63  }
0x34: {  	_ =	swait.ge [sflag:s25], $0x2800  }
0x35: {  	[sflag:s25] =	ssyncset.done $0x0  }
0x36: {  	[sflag:s25] =	ssyncadd.s32 $0xFFFFD800  }
0x37: {  	[spmem:s14] =	stream.linear.scatter [tilespmem:s24], [sflag:$0x3], $0x2800, $0x38;
	[tilespmem:$0x1F000] =	vst v63  }
0x38: {  	_ =	swait.ge [sflag:s25], $0x2800  }
0x39: {  	[sflag:s25] =	ssyncset.done $0x0  }
0x3a: {  	[sflag:s25] =	ssyncadd.s32 $0xFFFFD800  }
0x3b: {  	[spmem:s15] =	stream.linear.scatter [tilespmem:s24], [sflag:$0x3], $0x2800, $0x38;
	[tilespmem:$0x1F000] =	vst v63  }
0x3c: {  	_ =	swait.ge [sflag:s25], $0x2800  }
0x3d: {  	[sflag:s25] =	ssyncset.done $0x0  }
0x3e: {  	[sflag:s25] =	ssyncadd.s32 $0xFFFFD800  }
0x3f: {  	[spmem:s16] =	stream.linear.scatter [tilespmem:s24], [sflag:$0x3], $0x2800, $0x38;
	[tilespmem:$0x1F000] =	vst v63  }
0x40: {  	_ =	swait.ge [sflag:s25], $0x2800  }
0x41: {  	[sflag:s25] =	ssyncset.done $0x0  }
0x42: {  	[sflag:s25] =	ssyncadd.s32 $0xFFFFD800  }
0x43: {  	[spmem:s17] =	stream.linear.scatter [tilespmem:s24], [sflag:$0x3], $0x2800, $0x38;
	[tilespmem:$0x1F000] =	vst v63  }
0x44: {  	_ =	swait.ge [sflag:s25], $0x2800  }
0x45: {  	[sflag:s25] =	ssyncset.done $0x0  }
0x46: {  	[sflag:s25] =	ssyncadd.s32 $0xFFFFD800  }
0x47: {  	[spmem:s18] =	stream.linear.scatter [tilespmem:s24], [sflag:$0x3], $0x2800, $0x38;
	[tilespmem:$0x1F000] =	vst v63  }
0x48: {  	_ =	swait.ge [sflag:s25], $0x2800  }
0x49: {  	[sflag:s25] =	ssyncset.done $0x0  }
0x4a: {  	[sflag:s25] =	ssyncadd.s32 $0xFFFFD800  }
0x4b: {  	[spmem:s8] =	stream.linear.scatter [tilespmem:s24], [sflag:$0x3], $0x2000, $0x38;
	[tilespmem:$0x1F000] =	vst v63  }
0x4c: {  	_ =	swait.ge [sflag:s25], $0x2000  }
0x4d: {  	[sflag:s25] =	ssyncset.done $0x0  }
0x4e: {  	s29 =	simm.s32 @!p0 $0x8F80;
	[sflag:s25] =	ssyncadd.s32 $0xFFFFE000  }
0x4f: {  	[spmem:s9] =	stream.linear.scatter @!p0 [tilespmem:s29], [sflag:$0x3], $0x800, $0x38;
	[tilespmem:$0x1F000] =	vst v63  }
0x50: {  	s29 =	simm.s32 @!p0 $0x3  }
0x51: {  	_ =	swait.ge @!p0 [sflag:s29], $0x800  }
0x52: {  	[sflag:s29] =	ssyncset.done @!p0 $0x0  }
0x53: {  	[sflag:s29] =	ssyncadd.s32 @!p0 $0xFFFFF800  }
0x54: {  	s29 =	simm.s32 $0x50;
	[bflag:$0x0] =	sbarrier.arrive $0xFFFF  }
0x55: {  	[tilespmem:s24], [sflag:$0x2] =	stream.indirect.gather [hbm4b:s4+s22], $0x80, s29, s22, $0xb8;
	[tilespmem:$0x1F000] =	vst v63  }
0x56: {  	_ =	swait.ge [sflag:s20], $0x2800  }
0x57: {  	[sflag:s20] =	ssyncset.done $0x0  }
0x58: {  	s29 =	simm.s32 $0x2780;
	[sflag:s20] =	ssyncadd.s32 $0xFFFFD800  }
0x59: {  	[spmem:s2] =	stream.indirect.scatter.add.f32 [tilespmem:s23], [sflag:$0x3], $0x80, s29, s22, $0xb8;
	[tilespmem:$0x1F000] =	vst v63  }
0x5a: {  	_ =	swait.ge [sflag:s25], $0x2800  }
0x5b: {  	[sflag:s25] =	ssyncset.done $0x0  }
0x5c: {  	s29 =	simm.s32 $0xA0;
	[sflag:s25] =	ssyncadd.s32 $0xFFFFD800  }
0x5d: {  	[tilespmem:s23], [sflag:$0x1] =	stream.indirect.gather [hbm4b:s4+s22], $0x80, s29, s22, $0xb8;
	[tilespmem:$0x1F000] =	vst v63  }
0x5e: {  	_ =	swait.ge [sflag:s21], $0x2800  }
0x5f: {  	[sflag:s21] =	ssyncset.done $0x0  }
0x60: {  	s29 =	simm.s32 $0x2800;
	[sflag:s21] =	ssyncadd.s32 $0xFFFFD800  }
0x61: {  	[spmem:s2] =	stream.indirect.scatter.add.f32 [tilespmem:s24], [sflag:$0x3], $0x80, s29, s22, $0xb8;
	[tilespmem:$0x1F000] =	vst v63  }
0x62: {  	s30 =	simm.s32 $0x400;
	_ =	swait.ge [sflag:s25], $0x2800  }
0x63: {  	s31 =	simm.s32 $0x800;
	s29 =	simm.s32 $0x140;
	[sflag:s25] =	ssyncset.done $0x0  }
.LBB2_4:
0x64: {  	p1 =	sne.s32 s31, $0xF400;
	s0 =	sadd.s32 $0xFFFFFFB0, s29;
	[sflag:s25] =	ssyncadd.s32 $0xFFFFD800  }
0x65: {  	[tilespmem:s24], [sflag:$0x2] =	stream.indirect.gather [hbm4b:s4+s22], $0x80, s0, s22, $0xb8;
	[tilespmem:$0x1F000] =	vst v63  }
0x66: {  	s0 =	smov.u32 s31;
	s31 =	sadd.s32 $0x400, s31;
	_ =	swait.ge [sflag:s20], $0x2800  }
0x67: {  	s1 =	sshra.s32 s30, $0x2;
	s30 =	smov.u32 s0;
	[sflag:s20] =	ssyncset.done $0x0  }
0x68: {  	s0 =	sadd.s32 $0x2780, s1;
	[sflag:s20] =	ssyncadd.s32 $0xFFFFD800  }
0x69: {  	[spmem:s2] =	stream.indirect.scatter.add.f32 [tilespmem:s23], [sflag:$0x3], $0x80, s0, s22, $0xb8;
	[tilespmem:$0x1F000] =	vst v63  }
0x6a: {  	_ =	swait.ge [sflag:s25], $0x2800  }
0x6b: {  	[sflag:s25] =	ssyncset.done $0x0  }
0x6c: {  	[sflag:s25] =	ssyncadd.s32 $0xFFFFD800  }
0x6d: {  	[tilespmem:s23], [sflag:$0x1] =	stream.indirect.gather [hbm4b:s4+s22], $0x80, s29, s22, $0xb8;
	[tilespmem:$0x1F000] =	vst v63  }
0x6e: {  	_ =	swait.ge [sflag:s21], $0x2800  }
.Ltmp1:
0x6f: {  	[sflag:s21] =	ssyncset.done $0x0;
	(pc) =	sbr.rel @p1 .LBB2_4-.Ltmp1, $4  }
0x70: {  	s0 =	sadd.s32 $0x2800, s1;
	[sflag:s21] =	ssyncadd.s32 $0xFFFFD800  }
0x71: {  	[spmem:s2] =	stream.indirect.scatter.add.f32 [tilespmem:s24], [sflag:$0x3], $0x80, s0, s22, $0xb8;
	[tilespmem:$0x1F000] =	vst v63  }
0x72: {  	_ =	swait.ge [sflag:s25], $0x2800  }
0x73: {  	s29 =	sadd.s32 $0xA0, s29;
	[sflag:s25] =	ssyncset.done $0x0  }
0x74: {  	s0 =	sadd.s32 $0xFFFFFFB0, s29;
	[sflag:s25] =	ssyncadd.s32 $0xFFFFD800  }
0x75: {  	[tilespmem:s24], [sflag:$0x2] =	stream.indirect.gather [hbm4b:s4+s22], $0x80, s0, s22, $0xb8;
	[tilespmem:$0x1F000] =	vst v63  }
0x76: {  	_ =	swait.ge [sflag:s20], $0x2800  }
0x77: {  	s31 =	sshra.s32 s30, $0x2;
	[sflag:s20] =	ssyncset.done $0x0  }
0x78: {  	s1 =	sadd.s32 $0x2780, s31;
	[sflag:s20] =	ssyncadd.s32 $0xFFFFD800  }
0x79: {  	[spmem:s2] =	stream.indirect.scatter.add.f32 [tilespmem:s23], [sflag:$0x3], $0x80, s1, s22, $0xb8;
	[tilespmem:$0x1F000] =	vst v63  }
0x7a: {  	_ =	swait.ge [sflag:s25], $0x2800  }
0x7b: {  	[sflag:s25] =	ssyncset.done $0x0  }
0x7c: {  	[sflag:s25] =	ssyncadd.s32 $0xFFFFD800  }
0x7d: {  	[tilespmem:s23], [sflag:$0x1] =	stream.indirect.gather [hbm4b:s4+s22], $0x80, s29, s22, $0xb8;
	[tilespmem:$0x1F000] =	vst v63  }
0x7e: {  	_ =	swait.ge [sflag:s21], $0x2800  }
0x7f: {  	[sflag:s21] =	ssyncset.done $0x0  }
0x80: {  	s0 =	sadd.s32 $0x2800, s31;
	[sflag:s21] =	ssyncadd.s32 $0xFFFFD800  }
0x81: {  	[spmem:s2] =	stream.indirect.scatter.add.f32 [tilespmem:s24], [sflag:$0x3], $0x80, s0, s22, $0xb8;
	[tilespmem:$0x1F000] =	vst v63  }
0x82: {  	_ =	swait.ge [sflag:s25], $0x2800  }
0x83: {  	[sflag:s25] =	ssyncset.done $0x0  }
0x84: {  	[sflag:s25] =	ssyncadd.s32 $0xFFFFD800  }
0x85: {  	_ =	swait.ge [sflag:s20], $0x2800  }
0x86: {  	[sflag:s20] =	ssyncset.done $0x0  }
0x87: {  	[sflag:s20] =	ssyncadd.s32 $0xFFFFD800  }
0x88: {  	[spmem:s2] =	stream.indirect.scatter.add.f32 [tilespmem:s23], [sflag:$0x3], $0x80, s26, s22, $0xb8;
	[tilespmem:$0x1F000] =	vst v63  }
0x89: {  	_ =	swait.ge [sflag:s25], $0x2800  }
0x8a: {  	[sflag:s25] =	ssyncset.done $0x0  }
0x8b: {  	s30 =	sshll.u32 s19, $0x6;
	[sflag:s25] =	ssyncadd.s32 $0xFFFFD800  }
0x8c: {  	s31 =	sshrl.u32 s7, $0x3;
	s0 =	sor.u32 $0x1C03, s30;
	[bflag:$0x0] =	sbarrier.arrive $0xFFFF  }
0x8d: {  	[hbm:s10], [sflag:s0] =	dma.local [spmem:s31], $0x2700  }
0x8e: {  	_ =	swait.ge [sflag:s25], $0x2700  }
0x8f: {  	s28 =	sadd.s32 $0x1, s28;
	[sflag:s25] =	ssyncset.done $0x0  }
0x90: {  	p1 =	sne.s32 s28, s12;
	s1 =	sshrl.u32 @!p0 s9, $0x3;
	[sflag:s25] =	ssyncadd.s32 $0xFFFFD900  }
0x91: {  	[hbm:s11], [sflag:s0] =	dma.local @!p0 [spmem:s1], $0x100  }
.Ltmp2:
0x92: {  	_ = 	snop;
	(pc) =	sbr.rel @p1 .LBB2_1-.Ltmp2, $4  }
0x93: {  	s0 =	simm.s32 @!p0 $0x3  }
0x94: {  	_ =	swait.ge @!p0 [sflag:s0], $0x100  }
0x95: {  	[sflag:s0] =	ssyncset.done @!p0 $0x0  }
0x96: {  	[sflag:s0] =	ssyncadd.s32 @!p0 $0xFFFFFF00  }
0x97: {  	_ =	sfence.sel $0x180000  }
0x98: {  	[bflag:$0x0] =	sbarrier.arrive $0xFFFF  }
0x99: {  	_ =	strace $0x9000004A  }
0x9a: {  	[bflag:$0x2] =	sbarrier.arrive $0xFFFF  }
0x9b: {  	p0 =	sne.s32 s19, $0x0;
	s0 =	rddreg [dreg:$0x3]  }
0x9c: {  	s0 =	sadd.s32 @!p0 $0x100000, s0  }
0x9d: {  	[sflag:s0] =	ssyncadd.tile.s32 @!p0 $0x1;
	_ =	shalt  }
.Lfunc_end2:
_tile_overlayer_lowered:
.L_overlay_start_2:
0x9e: {  	(tag) =	ssettag $0x2  }
0x9f: {  	s0 =	rddreg [dreg:$0x0];
	s2 =	stileid.u32  }
0xa0: {  	s1 =	rddreg [dreg:$0x1];
	p0 =	sne.s32 s2, $0x0  }
0xa1: {  	s3 =	rddreg [dreg:$0x2];
	[bflag:$0x3] =	sbarrier.arrive $0xFFFF;
	s2 =	simm.s32 @!p0 $0x1C03  }
0xa2: {  	[timem:s3], [sflag:s2] =	dma.local @!p0 [hbm:s0], s1  }
0xa3: {  	s0 =	simm.s32 @!p0 $0x3  }
0xa4: {  	_ =	swait.ge @!p0 [sflag:s0], s1  }
0xa5: {  	s1 =	ssub.s32 @!p0 $0x0, s1;
	[sflag:s0] =	ssyncset.done @!p0 $0x0  }
0xa6: {  	[sflag:s0] =	ssyncadd.s32 @!p0 s1  }
0xa7: {  	[bflag:$0x3] =	sbarrier.arrive $0xFFFF  }
0xa8: {  	_ =	shalt  }

// kernel: kernel.7.cloned.1.call-start
scs
__scs_entry_jumppad:
0x0: {  	(pc) =	sbr.rel $0x88, $3  }
0x1: {  	(tag) =	ssettag $0x0;
	lr =	simm.s32 $0x1  }
0x2: {  	[smem:$0x3F97] =	sst lr;
	_ =	strace $0xD0000000  }
0x3: {  	_ = 	snop  }
0x4: {  	_ = 	snop  }
0x5: {  	_ = 	snop  }
0x6: {  	_ = 	snop  }
0x7: {  	_ = 	snop  }
__scs_overlays_trampoline_lowered:
0x8: {  	[smem:$0x3FA6] =	sst s0  }
0x9: {  	[smem:$0x3FA7] =	sst s1  }
0xa: {  	[smem:$0x3FA8] =	sst s2  }
0xb: {  	[smem:$0x3FA9] =	sst s3  }
0xc: {  	[smem:$0x3FAA] =	sst s4  }
0xd: {  	[smem:$0x3FAB] =	sst s5  }
0xe: {  	[smem:$0x3FAC] =	sst s6  }
0xf: {  	[smem:$0x3FAD] =	sst s7  }
0x10: {  	[smem:$0x3FAE] =	sst s8  }
0x11: {  	[smem:$0x3FAF] =	sst s9;
	s0 =	simm.s32 @!p0 $0x0  }
0x12: {  	s1 =	sld [smem:$0x3F95];
	s0 =	simm.s32 @p0 $0x1  }
0x13: {  	[smem:$0x3FB0] =	sst s0;
	s0 =	simm.s32 @!p1 $0x0  }
0x14: {  	s2 =	sld [smem:$0x3F94];
	s0 =	simm.s32 @p1 $0x1  }
0x15: {  	[smem:$0x3FB1] =	sst s0;
	s0 =	simm.s32 @!p2 $0x0  }
0x16: {  	s3 =	sld [smem:$0x3FDB];
	s0 =	simm.s32 @p2 $0x1  }
0x17: {  	s4 =	simm.s32 $0x1BF5;
	[smem:$0x3FB3] =	sst s0  }
0x18: {  	s0 =	sld [smem:$0x3F96];
	_ =	swait.ge [sflag:s4], $0x0  }
0x19: {  	s7 =	sld [smem:$0x3F97]  }
0x1a: {  	s8 =	sadd.s32 $0xFFFFE003, lr  }
0x1b: {  	s9 =	sadd.s32 $0xFFFFFEF7, lr;
	s5 =	simm.s32 $0xFFFFFFFF;
	p2 =	slt.u32 s8, $0xFFFFF086  }
0x1c: {  	p1 =	slt.u32 s9, $0xF7A;
	s5 =	simm.s32 @!p2 $0x0  }
0x1d: {  	s5 =	simm.s32 @p1 $0x1;
	p0 =	seq.s32 s7, s2  }
0x1e: {  	s7 =	smul.u32 @!p0 $0xF7A, s2;
	p2 =	seq.s32 @!p0 s5, $0x0  }
0x1f: {  	s9 =	smul.u32 $0xF7A, s1;
	s8 =	simm.s32 @!p0 $0x1BF5;
	p2 =	por !p2, p0  }
0x20: {  	[sflag:s8] =	ssyncset.s32 @!p0 $0xFFFFF086;
	s6 =	sadd.s32 @!p0 s3, s7;
	s7 =	simm.s32 @!p0 $0x108  }
0x21: {  	s3 =	sadd.s32 s3, s9;
	s6 =	sadd.s32 @!p0 $0x88, s6;
	s7 =	simm.s32 @p2 $0x1082  }
0x22: {  	[simem:s7], [sflag:s8] =	dma.local @!p0 [hbm:s6], $0xF7A  }
0x23: {  	s9 =	sor.u32 $0xD0000000, s2;
	s6 =	simm.s32 $0x108;
	_ =	swait.ge @!p0 [sflag:s8], $0x0  }
0x24: {  	s3 =	sadd.s32 $0x88, s3;
	s6 =	simm.s32 @!p1 $0x1082;
	[sflag:s4] =	ssyncset.s32 $0xFFFFF086  }
0x25: {  	[simem:s6], [sflag:s4] =	dma.local [hbm:s3], $0xF7A  }
0x26: {  	[smem:$0x3F97] =	sst s1;
	(tag) =	ssettag s2;
	_ =	strace s9  }
0x27: {  	s1 =	sld [smem:$0x3FA7]  }
0x28: {  	s2 =	sld [smem:$0x3FA8]  }
0x29: {  	s4 =	sld [smem:$0x3FAA]  }
0x2a: {  	p0 =	seq.s32 s5, $0x0;
	s5 =	sld [smem:$0x3FAB]  }
0x2b: {  	s6 =	sld [smem:$0x3FAC]  }
0x2c: {  	s7 =	sld [smem:$0x3FAD]  }
0x2d: {  	s3 =	simm.s32 $0x108;
	s8 =	sld [smem:$0x3FAE]  }
0x2e: {  	s3 =	simm.s32 @!p0 $0x1082;
	s9 =	sld [smem:$0x3FAF]  }
0x2f: {  	lr =	sadd.s32 s0, s3;
	s0 =	sld [smem:$0x3FA6]  }
0x30: {  	s3 =	sld [smem:$0x3FA9]  }
0x31: {  	[smem:$0x3FB2] =	sst s10  }
0x32: {  	s10 =	sld [smem:$0x3FB0];
	_ =	sdelay $0x3  }
0x33: {  	p0 =	seq.s32 s10, $0x1;
	s10 =	sld [smem:$0x3FB2];
	_ =	sdelay $0x3  }
0x34: {  	[smem:$0x3FB2] =	sst s10  }
0x35: {  	s10 =	sld [smem:$0x3FB1];
	_ =	sdelay $0x3  }
0x36: {  	p1 =	seq.s32 s10, $0x1;
	s10 =	sld [smem:$0x3FB2];
	_ =	sdelay $0x3  }
0x37: {  	[smem:$0x3FB2] =	sst s10  }
0x38: {  	s10 =	sld [smem:$0x3FB3]  }
0x39: {  	_ = 	snop;
	(pc) =	sbr.ind lr, $3  }
0x3a: {  	_ = 	snop  }
0x3b: {  	_ = 	snop  }
0x3c: {  	p2 =	seq.s32 s10, $0x1;
	s10 =	sld [smem:$0x3FB2]  }
0x3d: {  	_ =	shalt  }
0x3e: {  	_ =	shalt  }
0x3f: {  	_ =	shalt  }
0x40: {  	_ =	shalt  }
0x41: {  	_ =	shalt  }
0x42: {  	_ =	shalt  }
0x43: {  	_ =	shalt  }
0x44: {  	_ =	shalt  }
0x45: {  	_ =	shalt  }
0x46: {  	_ =	shalt  }
0x47: {  	_ =	shalt  }
0x48: {  	_ =	shalt  }
0x49: {  	_ =	shalt  }
0x4a: {  	_ =	shalt  }
0x4b: {  	_ =	shalt  }
0x4c: {  	_ =	shalt  }
0x4d: {  	_ =	shalt  }
0x4e: {  	_ =	shalt  }
0x4f: {  	_ =	shalt  }
0x50: {  	_ =	shalt  }
0x51: {  	_ =	shalt  }
0x52: {  	_ =	shalt  }
0x53: {  	_ =	shalt  }
0x54: {  	_ =	shalt  }
0x55: {  	_ =	shalt  }
0x56: {  	_ =	shalt  }
0x57: {  	_ =	shalt  }
0x58: {  	_ =	shalt  }
0x59: {  	_ =	shalt  }
0x5a: {  	_ =	shalt  }
0x5b: {  	_ =	shalt  }
0x5c: {  	_ =	shalt  }
0x5d: {  	_ =	shalt  }
0x5e: {  	_ =	shalt  }
0x5f: {  	_ =	shalt  }
0x60: {  	_ =	shalt  }
0x61: {  	_ =	shalt  }
0x62: {  	_ =	shalt  }
0x63: {  	_ =	shalt  }
0x64: {  	_ =	shalt  }
0x65: {  	_ =	shalt  }
0x66: {  	_ =	shalt  }
0x67: {  	_ =	shalt  }
0x68: {  	_ =	shalt  }
0x69: {  	_ =	shalt  }
0x6a: {  	_ =	shalt  }
0x6b: {  	_ =	shalt  }
0x6c: {  	_ =	shalt  }
0x6d: {  	_ =	shalt  }
0x6e: {  	_ =	shalt  }
0x6f: {  	_ =	shalt  }
0x70: {  	_ =	shalt  }
0x71: {  	_ =	shalt  }
0x72: {  	_ =	shalt  }
0x73: {  	_ =	shalt  }
0x74: {  	_ =	shalt  }
0x75: {  	_ =	shalt  }
0x76: {  	_ =	shalt  }
0x77: {  	_ =	shalt  }
0x78: {  	_ =	shalt  }
0x79: {  	_ =	shalt  }
0x7a: {  	_ =	shalt  }
0x7b: {  	_ =	shalt  }
0x7c: {  	_ =	shalt  }
0x7d: {  	_ =	shalt  }
0x7e: {  	_ =	shalt  }
0x7f: {  	_ =	shalt  }
0x80: {  	_ =	shalt  }
0x81: {  	_ =	shalt  }
0x82: {  	_ =	shalt  }
0x83: {  	_ =	shalt  }
0x84: {  	_ =	shalt  }
0x85: {  	_ =	shalt  }
0x86: {  	_ =	shalt  }
0x87: {  	_ =	shalt  }
.Lfunc_end0:
.L_simem_size_0:
called_computation_lowered:
.L_overlay_start_0:
0x88: {  	s2 =	sld [smem:$0x3FD9]  }
0x89: {  	s3 =	sld [smem:$0x3FFE];
	_ =	sdelay $0x1  }
0x8a: {  	s1 =	srdreg.scid  }
0x8b: {  	s0 =	sand.u32 $0x1, s1  }
0x8c: {  	s17 =	sshll.u32 s0, $0xA;
	s2 =	sadd.s32 s3, s2  }
0x8d: {  	s2 =	sadd.s32 s2, s17  }
0x8e: {  	[smem:$0x3FBE] =	sst s2  }
0x8f: {  	_ = 	snop  }
0x90: {  	s2 =	sld [smem:$0x3FD0];
	(tm) =	ssettm $0x1  }
0x91: {  	s18 =	sld [smem:$0x3FFB];
	_ =	sdelay $0x3  }
0x92: {  	_ =	strace s18  }
0x93: {  	s3 =	sld [smem:$0x3FFC];
	_ =	sdelay $0x3  }
0x94: {  	_ =	strace s3  }
0x95: {  	s3 =	sld [smem:$0x3FFD];
	_ =	sdelay $0x3  }
0x96: {  	_ =	strace s3  }
0x97: {  	_ =	strace $0x8FFFFFFF  }
0x98: {  	s19 =	sld [smem:$0x3FDB];
	_ =	sdelay $0x1  }
0x99: {  	s4 =	simm.s32 $_scs_section_size  }
0x9a: {  	s5 =	simm.s32 $_size__tile_overlayer_lowered;
	s6 =	simm.s32 $_tile_overlayer_lowered  }
0x9b: {  	s22 =	simm.s32 $0x1BFF;
	s21 =	sshll.u32 s6, $0x1;
	s3 =	sadd.s32 s4, s19  }
0x9c: {  	s7 =	simm.s32 $0x0;
	s20 =	sshll.u32 s5, $0x1;
	s5 =	sadd.s32 s21, s3  }
0x9d: {  	[timem:s7], [sflag:s22] =	dma.local [hbm:s5], s20  }
0x9e: {  	_ =	swait.ge [sflag:s22], s20  }
0x9f: {  	s4 =	ssub.s32 $0x0, s20;
	[sflag:s22] =	ssyncset.done $0x0  }
0xa0: {  	[sflag:s22] =	ssyncadd.s32 s4;
	_ =	sdelay $0x1  }
0xa1: {  	s23 =	simm.s32 $0x1B8B  }
0xa2: {  	_ =	swait.ge [sflag:s23], $0x1  }
0xa3: {  	[sflag:s23] =	ssyncset.done $0x0  }
0xa4: {  	s25 =	simm.s32 $0x1B8E;
	s24 =	sld [smem:$0x3FFE];
	[sflag:s23] =	ssyncadd.s32 $0xFFFFFFFF  }
0xa5: {  	s26 =	simm.s32 $execute0_lowered;
	[smem:$0x3FD2] =	sst s25  }
0xa6: {  	s5 =	sshll.u32 s26, $0x1;
	_ =	strace $0x80000046;
	[dreg:$0x1] =	wrdreg $0xFFFFFFFF  }
0xa7: {  	s28 =	simm.s32 $_size_execute0_lowered;
	s3 =	sadd.s32 s3, s5;
	[dreg:$0x0] =	wrdreg $0x0  }
0xa8: {  	s5 =	sshll.u32 s28, $0x1;
	[dreg:$0x2] =	wrdreg s3  }
0xa9: {  	[dreg:$0x3] =	wrdreg s5  }
0xaa: {  	[dreg:$0x4] =	wrdreg $0xC0  }
0xab: {  	_ =	task [dreg:s7], $0x5FFFF  }
0xac: {  	[dreg:$0x1] =	wrdreg $0xFFFFFFFF  }
0xad: {  	[dreg:$0x0] =	wrdreg $0x60  }
0xae: {  	[dreg:$0x2] =	wrdreg s24  }
0xaf: {  	[dreg:$0x3] =	wrdreg s2  }
0xb0: {  	[dreg:$0x4] =	wrdreg $0xB7800  }
0xb1: {  	[dreg:$0x5] =	wrdreg $0x9  }
0xb2: {  	_ =	task.clear_ibuf [dreg:s7], $0x6FFFF;
	_ =	strace $0x90000046  }
0xb3: {  	s29 =	simm.s32 $0x9;
	_ =	strace $0x80000048  }
0xb4: {  	_ =	swait.ge [sflag:s29], $0x1  }
0xb5: {  	[sflag:s29] =	ssyncadd.s32 $0xFFFFFFFF  }
0xb6: {  	_ =	strace $0x90000048  }
0xb7: {  	_ =	sfence  }
0xb8: {  	s30 =	sld [smem:$0x0];
	_ =	sdelay $0x2  }
0xb9: {  	s31 =	sshll.u32 s1, $0xD;
	s1 =	sshrl.u32 s1, $0x2  }
0xba: {  	s3 =	sand.u32 $0x4000, s31;
	s1 =	sadd.s32 s1, s30  }
0xbb: {  	s0 =	sor.u32 s3, s0;
	s1 =	sshll.u32 s1, $0x11  }
0xbc: {  	s0 =	sor.u32 s1, s0  }
0xbd: {  	s0 =	sadd.s32 $0x8F2B, s0  }
0xbe: {  	[sflag:s0] =	ssyncadd.remote.s32 $0x1  }
0xbf: {  	_ =	sfence.sel $0xFFFF  }
0xc0: {  	[dreg:$0x0] =	wrdreg $0xFFFFFFFF;
	(pc) =	sbr.abs _section_cstart, $3  }
0xc1: {  	[dreg:$0x1] =	wrdreg $0xFFFFFFFF  }
0xc2: {  	_ =	task.clear_ibuf [dreg:s7], $0x2FFFF;
	_ =	strace $0x9FFFFFFF  }
0xc3: {  	(tm) =	ssettm $0x7FFFFFFF  }
tec
execute0_lowered:
.L_overlay_start_1:
0x0: {  	(tag) =	ssettag $0x1  }
0x1: {  	s5 =	rddreg [dreg:$0x0]  }
0x2: {  	s6 =	rddreg [dreg:$0x1]  }
0x3: {  	s2 =	rddreg [dreg:$0x2]  }
0x4: {  	s4 =	srdreg.scid;
	s0 =	stileid.u32;
	s3 =	simm.s32 $0x0  }
0x5: {  	s19 =	stileid.u32;
	s20 =	simm.s32 $0x1;
	s21 =	simm.s32 $0x2  }
0x6: {  	s22 =	simm.s32 $0x50;
	s23 =	simm.s32 $0x6780;
	s28 =	simm.s32 $0x0  }
0x7: {  	s7 =	sand.u32 $0x1, s4;
	s24 =	sshll.u32 s0, $0x1;
	[smem:$0x7FF] =	sst s3  }
0x8: {  	s4 =	sadd.s32 $0xB800, s5;
	s11 =	smul.u32 $0x4E000, s0;
	s14 =	sadd.s32 $0x32A00, s5  }
0x9: {  	s25 =	smul.u32 $0x13800, s0;
	p0 =	sne.s32 s0, $0xF;
	s8 =	sor.u32 s7, s24  }
0xa: {  	_ =	strace $0x80000047;
	s10 =	ssub.s32 $0x2, s7;
	s13 =	smul.u32 $0x138800, s7  }
0xb: {  	s24 =	simm.s32 $0x8F80;
	s9 =	smul.u32 $0x4E2, s8;
	s12 =	sshrl.u32 s10, $0x1  }
0xc: {  	s26 =	sshll.u32 s8, $0xB;
	s29 =	sshrl.u32 s11, $0x2;
	s12 =	ssub.s32 s10, s12  }
0xd: {  	s6 =	sadd.s32 s6, s26;
	s7 =	sadd.s32 s29, s2;
	s30 =	sadd.s32 s25, s13  }
0xe: {  	s31 =	sshrl.u32 s13, $0x3;
	s25 =	simm.s32 $0x3;
	s26 =	simm.s32 $0x6580  }
0xf: {  	s9 =	sadd.s32 s9, s5;
	s8 =	sadd.s32 $0x11800, s7;
	s10 =	sshrl.u32 s30, $0x3  }
0x10: {  	s11 =	sadd.s32 s14, s31;
	s12 =	smax.u32 s12, $0x1;
	s13 =	sadd.s32 $0x2800, s7  }
0x11: {  	s15 =	sadd.s32 $0x7800, s7;
	s16 =	sadd.s32 $0xA000, s7;
	s17 =	sadd.s32 $0xC800, s7  }
0x12: {  	s18 =	sadd.s32 $0xF000, s7;
	s5 =	sadd.s32 $0x1A00, s9;
	s9 =	sadd.s32 $0x138000, s2  }
0x13: {  	v0 =	vimm.f32 $0.0e+00;
	s10 =	sadd.s32 s14, s10;
	s11 =	sadd.s32 $0x27000, s11;
	s14 =	sadd.s32 $0x5000, s7  }
.LBB2_1:
0x14: {  	[tilespmem:s3], [sflag:$0x1] =	stream.linear.gather [hbm4b:s5+s3], $0x2710, $0x38;
	[tilespmem:$0x1F000] =	vst v63  }
0x15: {  	s0 =	simm.s32 $0x2780;
	s29 =	simm.s32 $0x70;
	s30 =	simm.s32 $0x3C0  }
0x16: {  	[tilespmem:s0], [sflag:$0x2] =	stream.linear.gather [hbm4b:s6+s3], $0x3E80, $0x38;
	[tilespmem:$0x1F000] =	vst v63  }
.LBB2_2:
0x17: {  	p1 =	sne.s32 s30, $0x9FC0;
	[tilespmem:s29+$0x8F80] =	vst v0  }
0x18: {  	[tilespmem:s29+$0x8F10] =	vst v0  }
0x19: {  	[tilespmem:s29+$0x8F20] =	vst v0  }
.Ltmp0:
0x1a: {  	[tilespmem:s29+$0x8F30] =	vst v0;
	(pc) =	sbr.rel @p1 .LBB2_2-.Ltmp0, $4  }
0x1b: {  	[tilespmem:s29+$0x8F40] =	vst v0  }
0x1c: {  	[tilespmem:s29+$0x8F50] =	vst v0  }
0x1d: {  	[tilespmem:s29+$0x8F60] =	vst v0  }
0x1e: {  	[tilespmem:s29+$0x8F70] =	vst v0;
	s29 =	sshra.s32 s30, $0x2;
	s30 =	sadd.s32 $0x200, s30  }
0x1f: {  	[tilespmem:s29+$0x8F80] =	vst v0  }
0x20: {  	[tilespmem:s29+$0x8F10] =	vst v0  }
0x21: {  	[tilespmem:s29+$0x8F20] =	vst v0  }
0x22: {  	[tilespmem:s29+$0x8F30] =	vst v0  }
0x23: {  	[tilespmem:s29+$0x8F40] =	vst v0  }
0x24: {  	[tilespmem:s29+$0x8F50] =	vst v0  }
0x25: {  	[tilespmem:s29+$0x8F60] =	vst v0  }
0x26: {  	[tilespmem:s29+$0x8F70] =	vst v0  }
0x27: {  	_ =	swait.ge [sflag:s20], $0x2710  }
0x28: {  	[sflag:s20] =	ssyncset.done $0x0  }
0x29: {  	[sflag:s20] =	ssyncadd.s32 $0xFFFFD8F0  }
0x2a: {  	_ =	swait.ge [sflag:s21], $0x3E80  }
0x2b: {  	[sflag:s21] =	ssyncset.done $0x0  }
0x2c: {  	[sflag:s21] =	ssyncadd.s32 $0xFFFFC180  }
0x2d: {  	[tilespmem:s23], [sflag:$0x1] =	stream.indirect.gather [hbm4b:s4+s22], $0x80, s3, s22, $0xb8;
	[tilespmem:$0x1F000] =	vst v63  }
0x2e: {  	_ = 	snop  }
0x2f: {  	[spmem:s7] =	stream.linear.scatter [tilespmem:s24], [sflag:$0x3], $0x2800, $0x38;
	[tilespmem:$0x1F000] =	vst v63  }
0x30: {  	_ =	swait.ge [sflag:s25], $0x2800  }
0x31: {  	[sflag:s25] =	ssyncset.done $0x0  }
0x32: {  	[sflag:s25] =	ssyncadd.s32 $0xFFFFD800  }
0x33: {  	[spmem:s13] =	stream.linear.scatter [tilespmem:s24], [sflag:$0x3], $0x2800, $0x38;
	[tilespmem:$0x1F000] =	vst v63  }
0x34: {  	_ =	swait.ge [sflag:s25], $0x2800  }
0x35: {  	[sflag:s25] =	ssyncset.done $0x0  }
0x36: {  	[sflag:s25] =	ssyncadd.s32 $0xFFFFD800  }
0x37: {  	[spmem:s14] =	stream.linear.scatter [tilespmem:s24], [sflag:$0x3], $0x2800, $0x38;
	[tilespmem:$0x1F000] =	vst v63  }
0x38: {  	_ =	swait.ge [sflag:s25], $0x2800  }
0x39: {  	[sflag:s25] =	ssyncset.done $0x0  }
0x3a: {  	[sflag:s25] =	ssyncadd.s32 $0xFFFFD800  }
0x3b: {  	[spmem:s15] =	stream.linear.scatter [tilespmem:s24], [sflag:$0x3], $0x2800, $0x38;
	[tilespmem:$0x1F000] =	vst v63  }
0x3c: {  	_ =	swait.ge [sflag:s25], $0x2800  }
0x3d: {  	[sflag:s25] =	ssyncset.done $0x0  }
0x3e: {  	[sflag:s25] =	ssyncadd.s32 $0xFFFFD800  }
0x3f: {  	[spmem:s16] =	stream.linear.scatter [tilespmem:s24], [sflag:$0x3], $0x2800, $0x38;
	[tilespmem:$0x1F000] =	vst v63  }
0x40: {  	_ =	swait.ge [sflag:s25], $0x2800  }
0x41: {  	[sflag:s25] =	ssyncset.done $0x0  }
0x42: {  	[sflag:s25] =	ssyncadd.s32 $0xFFFFD800  }
0x43: {  	[spmem:s17] =	stream.linear.scatter [tilespmem:s24], [sflag:$0x3], $0x2800, $0x38;
	[tilespmem:$0x1F000] =	vst v63  }
0x44: {  	_ =	swait.ge [sflag:s25], $0x2800  }
0x45: {  	[sflag:s25] =	ssyncset.done $0x0  }
0x46: {  	[sflag:s25] =	ssyncadd.s32 $0xFFFFD800  }
0x47: {  	[spmem:s18] =	stream.linear.scatter [tilespmem:s24], [sflag:$0x3], $0x2800, $0x38;
	[tilespmem:$0x1F000] =	vst v63  }
0x48: {  	_ =	swait.ge [sflag:s25], $0x2800  }
0x49: {  	[sflag:s25] =	ssyncset.done $0x0  }
0x4a: {  	[sflag:s25] =	ssyncadd.s32 $0xFFFFD800  }
0x4b: {  	[spmem:s8] =	stream.linear.scatter [tilespmem:s24], [sflag:$0x3], $0x2000, $0x38;
	[tilespmem:$0x1F000] =	vst v63  }
0x4c: {  	_ =	swait.ge [sflag:s25], $0x2000  }
0x4d: {  	[sflag:s25] =	ssyncset.done $0x0  }
0x4e: {  	s29 =	simm.s32 @!p0 $0x8F80;
	[sflag:s25] =	ssyncadd.s32 $0xFFFFE000  }
0x4f: {  	[spmem:s9] =	stream.linear.scatter @!p0 [tilespmem:s29], [sflag:$0x3], $0x800, $0x38;
	[tilespmem:$0x1F000] =	vst v63  }
0x50: {  	s29 =	simm.s32 @!p0 $0x3  }
0x51: {  	_ =	swait.ge @!p0 [sflag:s29], $0x800  }
0x52: {  	[sflag:s29] =	ssyncset.done @!p0 $0x0  }
0x53: {  	[sflag:s29] =	ssyncadd.s32 @!p0 $0xFFFFF800  }
0x54: {  	s29 =	simm.s32 $0x50;
	[bflag:$0x0] =	sbarrier.arrive $0xFFFF  }
0x55: {  	[tilespmem:s24], [sflag:$0x2] =	stream.indirect.gather [hbm4b:s4+s22], $0x80, s29, s22, $0xb8;
	[tilespmem:$0x1F000] =	vst v63  }
0x56: {  	_ =	swait.ge [sflag:s20], $0x2800  }
0x57: {  	[sflag:s20] =	ssyncset.done $0x0  }
0x58: {  	s29 =	simm.s32 $0x2780;
	[sflag:s20] =	ssyncadd.s32 $0xFFFFD800  }
0x59: {  	[spmem:s2] =	stream.indirect.scatter.add.f32 [tilespmem:s23], [sflag:$0x3], $0x80, s29, s22, $0xb8;
	[tilespmem:$0x1F000] =	vst v63  }
0x5a: {  	_ =	swait.ge [sflag:s25], $0x2800  }
0x5b: {  	[sflag:s25] =	ssyncset.done $0x0  }
0x5c: {  	s29 =	simm.s32 $0xA0;
	[sflag:s25] =	ssyncadd.s32 $0xFFFFD800  }
0x5d: {  	[tilespmem:s23], [sflag:$0x1] =	stream.indirect.gather [hbm4b:s4+s22], $0x80, s29, s22, $0xb8;
	[tilespmem:$0x1F000] =	vst v63  }
0x5e: {  	_ =	swait.ge [sflag:s21], $0x2800  }
0x5f: {  	[sflag:s21] =	ssyncset.done $0x0  }
0x60: {  	s29 =	simm.s32 $0x2800;
	[sflag:s21] =	ssyncadd.s32 $0xFFFFD800  }
0x61: {  	[spmem:s2] =	stream.indirect.scatter.add.f32 [tilespmem:s24], [sflag:$0x3], $0x80, s29, s22, $0xb8;
	[tilespmem:$0x1F000] =	vst v63  }
0x62: {  	s30 =	simm.s32 $0x400;
	_ =	swait.ge [sflag:s25], $0x2800  }
0x63: {  	s31 =	simm.s32 $0x800;
	s29 =	simm.s32 $0x140;
	[sflag:s25] =	ssyncset.done $0x0  }
.LBB2_4:
0x64: {  	p1 =	sne.s32 s31, $0xF400;
	s0 =	sadd.s32 $0xFFFFFFB0, s29;
	[sflag:s25] =	ssyncadd.s32 $0xFFFFD800  }
0x65: {  	[tilespmem:s24], [sflag:$0x2] =	stream.indirect.gather [hbm4b:s4+s22], $0x80, s0, s22, $0xb8;
	[tilespmem:$0x1F000] =	vst v63  }
0x66: {  	s0 =	smov.u32 s31;
	s31 =	sadd.s32 $0x400, s31;
	_ =	swait.ge [sflag:s20], $0x2800  }
0x67: {  	s1 =	sshra.s32 s30, $0x2;
	s30 =	smov.u32 s0;
	[sflag:s20] =	ssyncset.done $0x0  }
0x68: {  	s0 =	sadd.s32 $0x2780, s1;
	[sflag:s20] =	ssyncadd.s32 $0xFFFFD800  }
0x69: {  	[spmem:s2] =	stream.indirect.scatter.add.f32 [tilespmem:s23], [sflag:$0x3], $0x80, s0, s22, $0xb8;
	[tilespmem:$0x1F000] =	vst v63  }
0x6a: {  	_ =	swait.ge [sflag:s25], $0x2800  }
0x6b: {  	[sflag:s25] =	ssyncset.done $0x0  }
0x6c: {  	[sflag:s25] =	ssyncadd.s32 $0xFFFFD800  }
0x6d: {  	[tilespmem:s23], [sflag:$0x1] =	stream.indirect.gather [hbm4b:s4+s22], $0x80, s29, s22, $0xb8;
	[tilespmem:$0x1F000] =	vst v63  }
0x6e: {  	_ =	swait.ge [sflag:s21], $0x2800  }
.Ltmp1:
0x6f: {  	[sflag:s21] =	ssyncset.done $0x0;
	(pc) =	sbr.rel @p1 .LBB2_4-.Ltmp1, $4  }
0x70: {  	s0 =	sadd.s32 $0x2800, s1;
	[sflag:s21] =	ssyncadd.s32 $0xFFFFD800  }
0x71: {  	[spmem:s2] =	stream.indirect.scatter.add.f32 [tilespmem:s24], [sflag:$0x3], $0x80, s0, s22, $0xb8;
	[tilespmem:$0x1F000] =	vst v63  }
0x72: {  	_ =	swait.ge [sflag:s25], $0x2800  }
0x73: {  	s29 =	sadd.s32 $0xA0, s29;
	[sflag:s25] =	ssyncset.done $0x0  }
0x74: {  	s0 =	sadd.s32 $0xFFFFFFB0, s29;
	[sflag:s25] =	ssyncadd.s32 $0xFFFFD800  }
0x75: {  	[tilespmem:s24], [sflag:$0x2] =	stream.indirect.gather [hbm4b:s4+s22], $0x80, s0, s22, $0xb8;
	[tilespmem:$0x1F000] =	vst v63  }
0x76: {  	_ =	swait.ge [sflag:s20], $0x2800  }
0x77: {  	s31 =	sshra.s32 s30, $0x2;
	[sflag:s20] =	ssyncset.done $0x0  }
0x78: {  	s1 =	sadd.s32 $0x2780, s31;
	[sflag:s20] =	ssyncadd.s32 $0xFFFFD800  }
0x79: {  	[spmem:s2] =	stream.indirect.scatter.add.f32 [tilespmem:s23], [sflag:$0x3], $0x80, s1, s22, $0xb8;
	[tilespmem:$0x1F000] =	vst v63  }
0x7a: {  	_ =	swait.ge [sflag:s25], $0x2800  }
0x7b: {  	[sflag:s25] =	ssyncset.done $0x0  }
0x7c: {  	[sflag:s25] =	ssyncadd.s32 $0xFFFFD800  }
0x7d: {  	[tilespmem:s23], [sflag:$0x1] =	stream.indirect.gather [hbm4b:s4+s22], $0x80, s29, s22, $0xb8;
	[tilespmem:$0x1F000] =	vst v63  }
0x7e: {  	_ =	swait.ge [sflag:s21], $0x2800  }
0x7f: {  	[sflag:s21] =	ssyncset.done $0x0  }
0x80: {  	s0 =	sadd.s32 $0x2800, s31;
	[sflag:s21] =	ssyncadd.s32 $0xFFFFD800  }
0x81: {  	[spmem:s2] =	stream.indirect.scatter.add.f32 [tilespmem:s24], [sflag:$0x3], $0x80, s0, s22, $0xb8;
	[tilespmem:$0x1F000] =	vst v63  }
0x82: {  	_ =	swait.ge [sflag:s25], $0x2800  }
0x83: {  	[sflag:s25] =	ssyncset.done $0x0  }
0x84: {  	[sflag:s25] =	ssyncadd.s32 $0xFFFFD800  }
0x85: {  	_ =	swait.ge [sflag:s20], $0x2800  }
0x86: {  	[sflag:s20] =	ssyncset.done $0x0  }
0x87: {  	[sflag:s20] =	ssyncadd.s32 $0xFFFFD800  }
0x88: {  	[spmem:s2] =	stream.indirect.scatter.add.f32 [tilespmem:s23], [sflag:$0x3], $0x80, s26, s22, $0xb8;
	[tilespmem:$0x1F000] =	vst v63  }
0x89: {  	_ =	swait.ge [sflag:s25], $0x2800  }
0x8a: {  	[sflag:s25] =	ssyncset.done $0x0  }
0x8b: {  	s30 =	sshll.u32 s19, $0x6;
	[sflag:s25] =	ssyncadd.s32 $0xFFFFD800  }
0x8c: {  	s31 =	sshrl.u32 s7, $0x3;
	s0 =	sor.u32 $0x1C03, s30;
	[bflag:$0x0] =	sbarrier.arrive $0xFFFF  }
0x8d: {  	[hbm:s10], [sflag:s0] =	dma.local [spmem:s31], $0x2700  }
0x8e: {  	_ =	swait.ge [sflag:s25], $0x2700  }
0x8f: {  	s28 =	sadd.s32 $0x1, s28;
	[sflag:s25] =	ssyncset.done $0x0  }
0x90: {  	p1 =	sne.s32 s28, s12;
	s1 =	sshrl.u32 @!p0 s9, $0x3;
	[sflag:s25] =	ssyncadd.s32 $0xFFFFD900  }
0x91: {  	[hbm:s11], [sflag:s0] =	dma.local @!p0 [spmem:s1], $0x100  }
.Ltmp2:
0x92: {  	_ = 	snop;
	(pc) =	sbr.rel @p1 .LBB2_1-.Ltmp2, $4  }
0x93: {  	s0 =	simm.s32 @!p0 $0x3  }
0x94: {  	_ =	swait.ge @!p0 [sflag:s0], $0x100  }
0x95: {  	[sflag:s0] =	ssyncset.done @!p0 $0x0  }
0x96: {  	[sflag:s0] =	ssyncadd.s32 @!p0 $0xFFFFFF00  }
0x97: {  	_ =	sfence.sel $0x180000  }
0x98: {  	[bflag:$0x0] =	sbarrier.arrive $0xFFFF  }
0x99: {  	_ =	strace $0x90000047  }
0x9a: {  	[bflag:$0x2] =	sbarrier.arrive $0xFFFF  }
0x9b: {  	p0 =	sne.s32 s19, $0x0;
	s0 =	rddreg [dreg:$0x3]  }
0x9c: {  	s0 =	sadd.s32 @!p0 $0x100000, s0  }
0x9d: {  	[sflag:s0] =	ssyncadd.tile.s32 @!p0 $0x1;
	_ =	shalt  }
.Lfunc_end2:
_tile_overlayer_lowered:
.L_overlay_start_2:
0x9e: {  	(tag) =	ssettag $0x2  }
0x9f: {  	s0 =	rddreg [dreg:$0x0];
	s2 =	stileid.u32  }
0xa0: {  	s1 =	rddreg [dreg:$0x1];
	p0 =	sne.s32 s2, $0x0  }
0xa1: {  	s3 =	rddreg [dreg:$0x2];
	[bflag:$0x3] =	sbarrier.arrive $0xFFFF;
	s2 =	simm.s32 @!p0 $0x1C03  }
0xa2: {  	[timem:s3], [sflag:s2] =	dma.local @!p0 [hbm:s0], s1  }
0xa3: {  	s0 =	simm.s32 @!p0 $0x3  }
0xa4: {  	_ =	swait.ge @!p0 [sflag:s0], s1  }
0xa5: {  	s1 =	ssub.s32 @!p0 $0x0, s1;
	[sflag:s0] =	ssyncset.done @!p0 $0x0  }
0xa6: {  	[sflag:s0] =	ssyncadd.s32 @!p0 s1  }
0xa7: {  	[bflag:$0x3] =	sbarrier.arrive $0xFFFF  }
0xa8: {  	_ =	shalt  }

</sc_bundles>
